<compile_context>
chip_gen: v7x
topology: tpu7x:2x2x1
jax: 0.10.2.dev20260603
libtpu: 0.0.44.dev20260713+nightly
codegen_flags: <defaults>
</compile_context>

<pallas_src>
import jax
import jax.numpy as jnp
from jax import lax
from jax.experimental import pallas as pl
from jax.experimental.pallas import tpu as pltpu
from jax.experimental.pallas import tpu_sc as plsc

_B = 16
_P = 4096
_S = 1024
_L = 16
_H = _P // 2


def _fps_body(x_hbm, y_hbm, z_hbm, zeros_hbm, out_hbm,
              x_v, y_v, z_v, dist_v, out_v, i0_v, exch_v, part_v, shared):
    c = lax.axis_index("c").astype(jnp.int32)
    s = lax.axis_index("s").astype(jnp.int32)
    cloud = c * 8 + lax.shift_right_logical(s, jnp.int32(1))
    half = lax.bitwise_and(s, jnp.int32(1))
    partner = lax.bitwise_xor(s, jnp.int32(1))
    base = half * _H

    pltpu.sync_copy(x_hbm.at[cloud], x_v)
    pltpu.sync_copy(y_hbm.at[cloud], y_v)
    pltpu.sync_copy(z_hbm.at[cloud], z_v)
    pltpu.sync_copy(zeros_hbm, i0_v)

    iota = lax.iota(jnp.int32, _L)
    lane0 = iota == 0
    zero_idx = i0_v[pl.ds(0, _L)]

    inf_vec = jnp.full((_L,), jnp.inf, jnp.float32)

    def init_chunk(cc, off):
        dist_v[pl.ds(off, _L)] = inf_vec
        return off + _L

    lax.fori_loop(0, _H // _L, init_chunk, base, unroll=8)

    plsc.store_scatter(out_v, [zero_idx], zero_idx, mask=lane0)
    selx0 = plsc.load_gather(x_v, [zero_idx])
    sely0 = plsc.load_gather(y_v, [zero_idx])
    selz0 = plsc.load_gather(z_v, [zero_idx])

    def outer(i, carry):
        selx, sely, selz, ii = carry

        def chunk(cc, bc):
            accs, off = bc
            naccs = []
            for k in range(4):
                bv, bi = accs[k]
                sl = pl.ds(off + k * _L, _L)
                dx = x_v[sl] - selx
                dy = y_v[sl] - sely
                dz = z_v[sl] - selz
                dn = dx * dx + dy * dy + dz * dz
                d = jnp.minimum(dist_v[sl], dn)
                dist_v[sl] = d
                upd = d > bv
                bv = jnp.where(upd, d, bv)
                bi = jnp.where(upd, iota + (off + k * _L), bi)
                naccs.append((bv, bi))
            return tuple(naccs), off + 4 * _L

        neg = jnp.full((_L,), -1.0, jnp.float32)
        accs, _ = lax.fori_loop(
            0, _H // (4 * _L), chunk,
            (((neg, zero_idx),) * 4, base),
            unroll=2,
        )
        bv, bi = accs[0]
        for k in range(1, 4):
            vb, ib = accs[k]
            take = (vb > bv) | ((vb == bv) & (ib < bi))
            bv = jnp.where(take, vb, bv)
            bi = jnp.where(take, ib, bi)

        exch_v[pl.ds(0, _L)] = bv
        exch_v[pl.ds(_L, _L)] = plsc.bitcast(bi, jnp.float32)
        pltpu.sync_copy(exch_v, shared.at[s, pl.ds(0, 2 * _L)])
        plsc.subcore_barrier()
        pltpu.sync_copy(shared.at[partner, pl.ds(0, 2 * _L)], part_v)
        vb = part_v[pl.ds(0, _L)]
        ib = plsc.bitcast(part_v[pl.ds(_L, _L)], jnp.int32)
        take = (vb > bv) | ((vb == bv) & (ib < bi))
        bv = jnp.where(take, vb, bv)
        bi = jnp.where(take, ib, bi)
        plsc.subcore_barrier()

        m = jnp.max(bv)
        cand = jnp.where(bv == m, bi, jnp.int32(_P))
        sel_s = jnp.min(cand)
        sel_vec = jnp.full((_L,), sel_s, jnp.int32)
        plsc.store_scatter(
            out_v, [jnp.full((_L,), ii, jnp.int32)], sel_vec, mask=lane0)
        nx = plsc.load_gather(x_v, [sel_vec])
        ny = plsc.load_gather(y_v, [sel_vec])
        nz = plsc.load_gather(z_v, [sel_vec])
        return nx, ny, nz, ii + 1

    lax.fori_loop(1, _S, outer,
                  (selx0, sely0, selz0, jnp.int32(1)))

    @pl.when(half == 0)
    def _():
        pltpu.sync_copy(out_v, out_hbm.at[cloud])


_fps_call = pl.kernel(
    _fps_body,
    out_type=jax.ShapeDtypeStruct((_B, _S), jnp.int32),
    mesh=plsc.VectorSubcoreMesh(
        core_axis_name="c", subcore_axis_name="s",
        num_cores=2, num_subcores=16),
    scratch_types=[
        pltpu.VMEM((_P,), jnp.float32),
        pltpu.VMEM((_P,), jnp.float32),
        pltpu.VMEM((_P,), jnp.float32),
        pltpu.VMEM((_P,), jnp.float32),
        pltpu.VMEM((_S,), jnp.int32),
        pltpu.VMEM((_L,), jnp.int32),
        pltpu.VMEM((2 * _L,), jnp.float32),
        pltpu.VMEM((2 * _L,), jnp.float32),
        pltpu.VMEM_SHARED((16, 8 * _L), jnp.float32),
    ],
    compiler_params=pltpu.CompilerParams(needs_layout_passes=False),
)


@jax.jit
def kernel(pos, batch):
    del batch
    pos = pos.astype(jnp.float32)
    pts = pos.reshape(_B, _P, 3)
    xs = pts[:, :, 0]
    ys = pts[:, :, 1]
    zs = pts[:, :, 2]
    local = _fps_call(xs, ys, zs, jnp.zeros((_L,), jnp.int32))
    offsets = (jnp.arange(_B, dtype=jnp.int64) * _P)[:, None]
    return (local.astype(jnp.int64) + offsets).reshape(-1)

# --- scband reference (transcript-rebuilt; emitter-appended) ---
"""Pipeline reference for scband-fps-24850680775244 (READ-ONLY COPY).

The authoritative reference and input builder live on the scoring server;
editing this copy changes nothing except your own understanding.
"""

import jax, jax.numpy as jnp
import numpy as np

jax.config.update("jax_enable_x64", True)

B = 16      # number of point clouds (batch segments)
P = 4096    # points per cloud (equal-sized segments)
RATIO = 0.25
S = int(P * RATIO)  # samples per cloud = 1024


def setup_inputs(seed: int = 0) -> dict:
    key = jax.random.key(seed)
    pos = jax.random.normal(key, (B * P, 3), dtype=jnp.float32)
    # sorted, equal-sized batch assignment vector (torch_geometric convention)
    batch = jnp.repeat(jnp.arange(B, dtype=jnp.int64), P)
    return {"pos": pos, "batch": batch}


def _fps_batched(pos):
    pts = pos.reshape(B, P, 3)

    def single(p):  # p: [P, 3]
        # random_first=False -> deterministic start at first point of the segment
        d0 = jnp.sum((p - p[0]) ** 2, axis=-1)  # squared dist to start point
        idxs = jnp.zeros((S,), dtype=jnp.int64)  # idxs[0] = 0 (start point)

        def body(i, carry):
            dist, idxs = carry
            sel = jnp.argmax(dist)              # farthest point so far
            idxs = idxs.at[i].set(sel.astype(jnp.int64))
            d_new = jnp.sum((p - p[sel]) ** 2, axis=-1)
            dist = jnp.minimum(dist, d_new)     # min-dist to selected set
            return dist, idxs

        _, idxs = jax.lax.fori_loop(1, S, body, (d0, idxs))
        return idxs

    local = jax.vmap(single)(pts)  # [B, S] local indices within each cloud
    offsets = (jnp.arange(B, dtype=jnp.int64) * P)[:, None]
    return (local + offsets).reshape(-1)  # [B*S] global indices, batch-major


def reference(pos, batch):
    # Farthest point sampling per batch segment (segments are sorted and
    # equal-sized, as constructed in setup_inputs). Returns int64 indices
    # into pos, ordered by batch, matching fps_cpu(pos, batch, ratio, False).
    return _fps_batched(pos)

if __name__ == "__main__":
    import jax
    _d = setup_inputs()
    print(jax.jit(kernel)(*tuple(_d.values())))

</pallas_src>

<mosaic_0001>
#map = affine_map<(d0, d1) -> (0, 0)>
#map1 = affine_map<(d0, d1) -> (0)>
module attributes {stable_mosaic.version = 14 : i64} {
  func.func @_fps_body(%arg0: i32, %arg1: i32, %arg2: memref<16x4096xf32, #tpu.memory_space<hbm>>, %arg3: memref<16x4096xf32, #tpu.memory_space<hbm>>, %arg4: memref<16x4096xf32, #tpu.memory_space<hbm>>, %arg5: memref<16xi32, #tpu.memory_space<hbm>>, %arg6: memref<16x1024xi32, #tpu.memory_space<hbm>>, %arg7: memref<4096xf32, #tpu.memory_space<vmem>>, %arg8: memref<4096xf32, #tpu.memory_space<vmem>>, %arg9: memref<4096xf32, #tpu.memory_space<vmem>>, %arg10: memref<4096xf32, #tpu.memory_space<vmem>>, %arg11: memref<1024xi32, #tpu.memory_space<vmem>>, %arg12: memref<16xi32, #tpu.memory_space<vmem>>, %arg13: memref<32xf32, #tpu.memory_space<vmem>>, %arg14: memref<32xf32, #tpu.memory_space<vmem>>, %arg15: memref<16x128xf32, #tpu.memory_space<vmem_shared>>) attributes {dimension_semantics = [#tpu.dimension_semantics<core_parallel>, #tpu.dimension_semantics<subcore_parallel>], iteration_bounds = array<i64: 2, 16>, scalar_prefetch = 0 : i64, scratch_operands = 9 : i64, tpu.core_type = #tpu.core_type<sc_vector_subcore>, window_params = [{transform_indices = #map}, {transform_indices = #map}, {transform_indices = #map}, {transform_indices = #map1}, {transform_indices = #map}]} {
    %mul3A = arith.constant 8 : i32
    %mul3A_0 = arith.muli %arg0, %mul3A : i32
    %shift_right_logical3A = arith.constant 1 : i32
    %shift_right_logical3A_1 = arith.shrui %arg1, %shift_right_logical3A : i32
    %add3A = arith.addi %mul3A_0, %shift_right_logical3A_1 : i32
    %and3A = arith.constant 1 : i32
    %and3A_2 = arith.andi %arg1, %and3A : i32
    %xor3A = arith.constant 1 : i32
    %xor3A_3 = arith.xori %arg1, %xor3A : i32
    %mul3A_4 = arith.constant 2048 : i32
    %mul3A_5 = arith.muli %and3A_2, %mul3A_4 : i32
    "tpu.region"() ({
      %run_scoped3A = tpu.sem_alloc : memref<!tpu.dma_semaphore, #tpu.memory_space<semaphore_mem>>
      %dma_start3A = arith.constant 0 : i32
      %dma_start3A_27 = tpu.memref_slice %arg2[%add3A, %dma_start3A] : memref<16x4096xf32, #tpu.memory_space<hbm>> -> memref<1x4096xf32, #tpu.memory_space<hbm>>
      %dma_start3A_28 = tpu.memref_squeeze %dma_start3A_27 : memref<1x4096xf32, #tpu.memory_space<hbm>> -> memref<4096xf32, #tpu.memory_space<hbm>>
      %dma_start3A_29 = arith.constant 0 : i32
      %dma_start3A_30 = tpu.memref_slice %arg2[%add3A, %dma_start3A_29] : memref<16x4096xf32, #tpu.memory_space<hbm>> -> memref<1x4096xf32, #tpu.memory_space<hbm>>
      %dma_start3A_31 = tpu.memref_squeeze %dma_start3A_30 : memref<1x4096xf32, #tpu.memory_space<hbm>> -> memref<4096xf32, #tpu.memory_space<hbm>>
      tpu.enqueue_dma source(%dma_start3A_31 : memref<4096xf32, #tpu.memory_space<hbm>>) target(%arg7 : memref<4096xf32, #tpu.memory_space<vmem>>) target_semaphore(%run_scoped3A : memref<!tpu.dma_semaphore, #tpu.memory_space<semaphore_mem>>)
      %dma_wait3A = arith.constant 0 : i32
      %dma_wait3A_32 = tpu.memref_slice %arg2[%add3A, %dma_wait3A] : memref<16x4096xf32, #tpu.memory_space<hbm>> -> memref<1x4096xf32, #tpu.memory_space<hbm>>
      %dma_wait3A_33 = tpu.memref_squeeze %dma_wait3A_32 : memref<1x4096xf32, #tpu.memory_space<hbm>> -> memref<4096xf32, #tpu.memory_space<hbm>>
      %dma_wait3A_34 = arith.constant 0 : i32
      %dma_wait3A_35 = tpu.memref_slice %arg2[%add3A, %dma_wait3A_34] : memref<16x4096xf32, #tpu.memory_space<hbm>> -> memref<1x4096xf32, #tpu.memory_space<hbm>>
      %dma_wait3A_36 = tpu.memref_squeeze %dma_wait3A_35 : memref<1x4096xf32, #tpu.memory_space<hbm>> -> memref<4096xf32, #tpu.memory_space<hbm>>
      tpu.wait_dma2 semaphore(%run_scoped3A : memref<!tpu.dma_semaphore, #tpu.memory_space<semaphore_mem>>) src(%dma_wait3A_36 : memref<4096xf32, #tpu.memory_space<hbm>>) dst(%arg7 : memref<4096xf32, #tpu.memory_space<vmem>>)
      tpu.yield
    }) : () -> ()
    "tpu.region"() ({
      %run_scoped3A = tpu.sem_alloc : memref<!tpu.dma_semaphore, #tpu.memory_space<semaphore_mem>>
      %dma_start3A = arith.constant 0 : i32
      %dma_start3A_27 = tpu.memref_slice %arg3[%add3A, %dma_start3A] : memref<16x4096xf32, #tpu.memory_space<hbm>> -> memref<1x4096xf32, #tpu.memory_space<hbm>>
      %dma_start3A_28 = tpu.memref_squeeze %dma_start3A_27 : memref<1x4096xf32, #tpu.memory_space<hbm>> -> memref<4096xf32, #tpu.memory_space<hbm>>
      %dma_start3A_29 = arith.constant 0 : i32
      %dma_start3A_30 = tpu.memref_slice %arg3[%add3A, %dma_start3A_29] : memref<16x4096xf32, #tpu.memory_space<hbm>> -> memref<1x4096xf32, #tpu.memory_space<hbm>>
      %dma_start3A_31 = tpu.memref_squeeze %dma_start3A_30 : memref<1x4096xf32, #tpu.memory_space<hbm>> -> memref<4096xf32, #tpu.memory_space<hbm>>
      tpu.enqueue_dma source(%dma_start3A_31 : memref<4096xf32, #tpu.memory_space<hbm>>) target(%arg8 : memref<4096xf32, #tpu.memory_space<vmem>>) target_semaphore(%run_scoped3A : memref<!tpu.dma_semaphore, #tpu.memory_space<semaphore_mem>>)
      %dma_wait3A = arith.constant 0 : i32
      %dma_wait3A_32 = tpu.memref_slice %arg3[%add3A, %dma_wait3A] : memref<16x4096xf32, #tpu.memory_space<hbm>> -> memref<1x4096xf32, #tpu.memory_space<hbm>>
      %dma_wait3A_33 = tpu.memref_squeeze %dma_wait3A_32 : memref<1x4096xf32, #tpu.memory_space<hbm>> -> memref<4096xf32, #tpu.memory_space<hbm>>
      %dma_wait3A_34 = arith.constant 0 : i32
      %dma_wait3A_35 = tpu.memref_slice %arg3[%add3A, %dma_wait3A_34] : memref<16x4096xf32, #tpu.memory_space<hbm>> -> memref<1x4096xf32, #tpu.memory_space<hbm>>
      %dma_wait3A_36 = tpu.memref_squeeze %dma_wait3A_35 : memref<1x4096xf32, #tpu.memory_space<hbm>> -> memref<4096xf32, #tpu.memory_space<hbm>>
      tpu.wait_dma2 semaphore(%run_scoped3A : memref<!tpu.dma_semaphore, #tpu.memory_space<semaphore_mem>>) src(%dma_wait3A_36 : memref<4096xf32, #tpu.memory_space<hbm>>) dst(%arg8 : memref<4096xf32, #tpu.memory_space<vmem>>)
      tpu.yield
    }) : () -> ()
    "tpu.region"() ({
      %run_scoped3A = tpu.sem_alloc : memref<!tpu.dma_semaphore, #tpu.memory_space<semaphore_mem>>
      %dma_start3A = arith.constant 0 : i32
      %dma_start3A_27 = tpu.memref_slice %arg4[%add3A, %dma_start3A] : memref<16x4096xf32, #tpu.memory_space<hbm>> -> memref<1x4096xf32, #tpu.memory_space<hbm>>
      %dma_start3A_28 = tpu.memref_squeeze %dma_start3A_27 : memref<1x4096xf32, #tpu.memory_space<hbm>> -> memref<4096xf32, #tpu.memory_space<hbm>>
      %dma_start3A_29 = arith.constant 0 : i32
      %dma_start3A_30 = tpu.memref_slice %arg4[%add3A, %dma_start3A_29] : memref<16x4096xf32, #tpu.memory_space<hbm>> -> memref<1x4096xf32, #tpu.memory_space<hbm>>
      %dma_start3A_31 = tpu.memref_squeeze %dma_start3A_30 : memref<1x4096xf32, #tpu.memory_space<hbm>> -> memref<4096xf32, #tpu.memory_space<hbm>>
      tpu.enqueue_dma source(%dma_start3A_31 : memref<4096xf32, #tpu.memory_space<hbm>>) target(%arg9 : memref<4096xf32, #tpu.memory_space<vmem>>) target_semaphore(%run_scoped3A : memref<!tpu.dma_semaphore, #tpu.memory_space<semaphore_mem>>)
      %dma_wait3A = arith.constant 0 : i32
      %dma_wait3A_32 = tpu.memref_slice %arg4[%add3A, %dma_wait3A] : memref<16x4096xf32, #tpu.memory_space<hbm>> -> memref<1x4096xf32, #tpu.memory_space<hbm>>
      %dma_wait3A_33 = tpu.memref_squeeze %dma_wait3A_32 : memref<1x4096xf32, #tpu.memory_space<hbm>> -> memref<4096xf32, #tpu.memory_space<hbm>>
      %dma_wait3A_34 = arith.constant 0 : i32
      %dma_wait3A_35 = tpu.memref_slice %arg4[%add3A, %dma_wait3A_34] : memref<16x4096xf32, #tpu.memory_space<hbm>> -> memref<1x4096xf32, #tpu.memory_space<hbm>>
      %dma_wait3A_36 = tpu.memref_squeeze %dma_wait3A_35 : memref<1x4096xf32, #tpu.memory_space<hbm>> -> memref<4096xf32, #tpu.memory_space<hbm>>
      tpu.wait_dma2 semaphore(%run_scoped3A : memref<!tpu.dma_semaphore, #tpu.memory_space<semaphore_mem>>) src(%dma_wait3A_36 : memref<4096xf32, #tpu.memory_space<hbm>>) dst(%arg9 : memref<4096xf32, #tpu.memory_space<vmem>>)
      tpu.yield
    }) : () -> ()
    "tpu.region"() ({
      %run_scoped3A = tpu.sem_alloc : memref<!tpu.dma_semaphore, #tpu.memory_space<semaphore_mem>>
      tpu.enqueue_dma source(%arg5 : memref<16xi32, #tpu.memory_space<hbm>>) target(%arg12 : memref<16xi32, #tpu.memory_space<vmem>>) target_semaphore(%run_scoped3A : memref<!tpu.dma_semaphore, #tpu.memory_space<semaphore_mem>>)
      tpu.wait_dma2 semaphore(%run_scoped3A : memref<!tpu.dma_semaphore, #tpu.memory_space<semaphore_mem>>) src(%arg5 : memref<16xi32, #tpu.memory_space<hbm>>) dst(%arg12 : memref<16xi32, #tpu.memory_space<vmem>>)
      tpu.yield
    }) : () -> ()
    %iota3A = tpu.iota {dimensions = array<i32: 0>} : vector<16xi32>
    %eq3A = arith.constant 0 : i32
    %eq3A_6 = vector.broadcast %eq3A : i32 to vector<16xi32>
    %eq3A_7 = arith.cmpi eq, %iota3A, %eq3A_6 : vector<16xi32>
    %get3A = arith.constant 0 : index
    %get3A_8 = tpu.vector_load %arg12[%get3A] {strides = array<i32>} : memref<16xi32, #tpu.memory_space<vmem>>, vector<16xi32>,
    %broadcast_in_dim3A = arith.constant 0x7F800000 : f32
    %broadcast_in_dim3A_9 = vector.broadcast %broadcast_in_dim3A : f32 to vector<16xf32>
    %scan3A = arith.constant 0 : i32
    %scan3A_10 = arith.constant 128 : i32
    %scan3A_11 = arith.addi %scan3A, %scan3A_10 : i32
    %scan3A_12 = arith.constant 8 : i32
    %scan3A_13 = scf.for %scan3A_27 = %scan3A to %scan3A_11 step %scan3A_12 iter_args(%scan3A_28 = %mul3A_5) -> (i32)  : i32 {
      %swap3A = arith.index_cast %scan3A_28 : i32 to index
      %swap3A_29 = tpu.vector_load %arg10[%swap3A] {strides = array<i32>} : memref<4096xf32, #tpu.memory_space<vmem>>, vector<16xf32>,
      tpu.vector_store %arg10[%swap3A], %broadcast_in_dim3A_9 {strides = array<i32>} : memref<4096xf32, #tpu.memory_space<vmem>>, vector<16xf32>,
      %add3A_30 = arith.constant 16 : i32
      %add3A_31 = arith.addi %scan3A_28, %add3A_30 : i32
      %scan3A_32 = arith.constant 1 : i32
      %scan3A_33 = arith.addi %scan3A_27, %scan3A_32 : i32
      %swap3A_34 = arith.index_cast %add3A_31 : i32 to index
      %swap3A_35 = tpu.vector_load %arg10[%swap3A_34] {strides = array<i32>} : memref<4096xf32, #tpu.memory_space<vmem>>, vector<16xf32>,
      tpu.vector_store %arg10[%swap3A_34], %broadcast_in_dim3A_9 {strides = array<i32>} : memref<4096xf32, #tpu.memory_space<vmem>>, vector<16xf32>,
      %add3A_36 = arith.constant 16 : i32
      %add3A_37 = arith.addi %add3A_31, %add3A_36 : i32
      %scan3A_38 = arith.constant 2 : i32
      %scan3A_39 = arith.addi %scan3A_27, %scan3A_38 : i32
      %swap3A_40 = arith.index_cast %add3A_37 : i32 to index
      %swap3A_41 = tpu.vector_load %arg10[%swap3A_40] {strides = array<i32>} : memref<4096xf32, #tpu.memory_space<vmem>>, vector<16xf32>,
      tpu.vector_store %arg10[%swap3A_40], %broadcast_in_dim3A_9 {strides = array<i32>} : memref<4096xf32, #tpu.memory_space<vmem>>, vector<16xf32>,
      %add3A_42 = arith.constant 16 : i32
      %add3A_43 = arith.addi %add3A_37, %add3A_42 : i32
      %scan3A_44 = arith.constant 3 : i32
      %scan3A_45 = arith.addi %scan3A_27, %scan3A_44 : i32
      %swap3A_46 = arith.index_cast %add3A_43 : i32 to index
      %swap3A_47 = tpu.vector_load %arg10[%swap3A_46] {strides = array<i32>} : memref<4096xf32, #tpu.memory_space<vmem>>, vector<16xf32>,
      tpu.vector_store %arg10[%swap3A_46], %broadcast_in_dim3A_9 {strides = array<i32>} : memref<4096xf32, #tpu.memory_space<vmem>>, vector<16xf32>,
      %add3A_48 = arith.constant 16 : i32
      %add3A_49 = arith.addi %add3A_43, %add3A_48 : i32
      %scan3A_50 = arith.constant 4 : i32
      %scan3A_51 = arith.addi %scan3A_27, %scan3A_50 : i32
      %swap3A_52 = arith.index_cast %add3A_49 : i32 to index
      %swap3A_53 = tpu.vector_load %arg10[%swap3A_52] {strides = array<i32>} : memref<4096xf32, #tpu.memory_space<vmem>>, vector<16xf32>,
      tpu.vector_store %arg10[%swap3A_52], %broadcast_in_dim3A_9 {strides = array<i32>} : memref<4096xf32, #tpu.memory_space<vmem>>, vector<16xf32>,
      %add3A_54 = arith.constant 16 : i32
      %add3A_55 = arith.addi %add3A_49, %add3A_54 : i32
      %scan3A_56 = arith.constant 5 : i32
      %scan3A_57 = arith.addi %scan3A_27, %scan3A_56 : i32
      %swap3A_58 = arith.index_cast %add3A_55 : i32 to index
      %swap3A_59 = tpu.vector_load %arg10[%swap3A_58] {strides = array<i32>} : memref<4096xf32, #tpu.memory_space<vmem>>, vector<16xf32>,
      tpu.vector_store %arg10[%swap3A_58], %broadcast_in_dim3A_9 {strides = array<i32>} : memref<4096xf32, #tpu.memory_space<vmem>>, vector<16xf32>,
      %add3A_60 = arith.constant 16 : i32
      %add3A_61 = arith.addi %add3A_55, %add3A_60 : i32
      %scan3A_62 = arith.constant 6 : i32
      %scan3A_63 = arith.addi %scan3A_27, %scan3A_62 : i32
      %swap3A_64 = arith.index_cast %add3A_61 : i32 to index
      %swap3A_65 = tpu.vector_load %arg10[%swap3A_64] {strides = array<i32>} : memref<4096xf32, #tpu.memory_space<vmem>>, vector<16xf32>,
      tpu.vector_store %arg10[%swap3A_64], %broadcast_in_dim3A_9 {strides = array<i32>} : memref<4096xf32, #tpu.memory_space<vmem>>, vector<16xf32>,
      %add3A_66 = arith.constant 16 : i32
      %add3A_67 = arith.addi %add3A_61, %add3A_66 : i32
      %scan3A_68 = arith.constant 7 : i32
      %scan3A_69 = arith.addi %scan3A_27, %scan3A_68 : i32
      %swap3A_70 = arith.index_cast %add3A_67 : i32 to index
      %swap3A_71 = tpu.vector_load %arg10[%swap3A_70] {strides = array<i32>} : memref<4096xf32, #tpu.memory_space<vmem>>, vector<16xf32>,
      tpu.vector_store %arg10[%swap3A_70], %broadcast_in_dim3A_9 {strides = array<i32>} : memref<4096xf32, #tpu.memory_space<vmem>>, vector<16xf32>,
      %add3A_72 = arith.constant 16 : i32
      %add3A_73 = arith.addi %add3A_67, %add3A_72 : i32
      scf.yield %add3A_73 : i32
    }
    %scan3A_14 = arith.constant 128 : i32
    tpu.vector_store_idx %arg11[%get3A_8], %get3A_8 masked %eq3A_7 : memref<1024xi32, #tpu.memory_space<vmem>>[vector<16xi32>], vector<16xi32>, vector<16xi1>
    %gather3A = tpu.vector_load_idx %arg7[%get3A_8] : memref<4096xf32, #tpu.memory_space<vmem>>[vector<16xi32>], vector<16xf32>,
    %gather3A_15 = tpu.vector_load_idx %arg8[%get3A_8] : memref<4096xf32, #tpu.memory_space<vmem>>[vector<16xi32>], vector<16xf32>,
    %gather3A_16 = tpu.vector_load_idx %arg9[%get3A_8] : memref<4096xf32, #tpu.memory_space<vmem>>[vector<16xi32>], vector<16xf32>,
    %scan3A_17 = arith.constant 1 : i32
    %scan3A_18 = arith.constant 1 : i32
    %scan3A_19 = arith.constant 1023 : i32
    %scan3A_20 = arith.addi %scan3A_18, %scan3A_19 : i32
    %scan3A_21 = arith.constant 1 : i32
    %scan3A_22:4 = scf.for %scan3A_27 = %scan3A_18 to %scan3A_20 step %scan3A_21 iter_args(%scan3A_28 = %gather3A, %scan3A_29 = %gather3A_15, %scan3A_30 = %gather3A_16, %scan3A_31 = %scan3A_17) -> (vector<16xf32>, vector<16xf32>, vector<16xf32>, i32)  : i32 {
      %broadcast_in_dim3A_32 = arith.constant -1.000000e+00 : f32
      %broadcast_in_dim3A_33 = vector.broadcast %broadcast_in_dim3A_32 : f32 to vector<16xf32>
      %scan3A_34 = arith.constant 0 : i32
      %scan3A_35 = arith.constant 32 : i32
      %scan3A_36 = arith.addi %scan3A_34, %scan3A_35 : i32
      %scan3A_37 = arith.constant 2 : i32
      %scan3A_38:9 = scf.for %scan3A_94 = %scan3A_34 to %scan3A_36 step %scan3A_37 iter_args(%scan3A_95 = %broadcast_in_dim3A_33, %scan3A_96 = %get3A_8, %scan3A_97 = %broadcast_in_dim3A_33, %scan3A_98 = %get3A_8, %scan3A_99 = %broadcast_in_dim3A_33, %scan3A_100 = %get3A_8, %scan3A_101 = %broadcast_in_dim3A_33, %scan3A_102 = %get3A_8, %scan3A_103 = %mul3A_5) -> (vector<16xf32>, vector<16xi32>, vector<16xf32>, vector<16xi32>, vector<16xf32>, vector<16xi32>, vector<16xf32>, vector<16xi32>, i32)  : i32 {
        %add3A_104 = arith.constant 0 : i32
        %add3A_105 = arith.addi %scan3A_103, %add3A_104 : i32
        %get3A_106 = arith.index_cast %add3A_105 : i32 to index
        %get3A_107 = tpu.vector_load %arg7[%get3A_106] {strides = array<i32>} : memref<4096xf32, #tpu.memory_space<vmem>>, vector<16xf32>,
        %sub3A = arith.subf %get3A_107, %scan3A_28 : vector<16xf32>
        %get3A_108 = arith.index_cast %add3A_105 : i32 to index
        %get3A_109 = tpu.vector_load %arg8[%get3A_108] {strides = array<i32>} : memref<4096xf32, #tpu.memory_space<vmem>>, vector<16xf32>,
        %sub3A_110 = arith.subf %get3A_109, %scan3A_29 : vector<16xf32>
        %get3A_111 = arith.index_cast %add3A_105 : i32 to index
        %get3A_112 = tpu.vector_load %arg9[%get3A_111] {strides = array<i32>} : memref<4096xf32, #tpu.memory_space<vmem>>, vector<16xf32>,
        %sub3A_113 = arith.subf %get3A_112, %scan3A_30 : vector<16xf32>
        %mul3A_114 = arith.mulf %sub3A, %sub3A : vector<16xf32>
        %mul3A_115 = arith.mulf %sub3A_110, %sub3A_110 : vector<16xf32>
        %add3A_116 = arith.addf %mul3A_114, %mul3A_115 : vector<16xf32>
        %mul3A_117 = arith.mulf %sub3A_113, %sub3A_113 : vector<16xf32>
        %add3A_118 = arith.addf %add3A_116, %mul3A_117 : vector<16xf32>
        %get3A_119 = arith.index_cast %add3A_105 : i32 to index
        %get3A_120 = tpu.vector_load %arg10[%get3A_119] {strides = array<i32>} : memref<4096xf32, #tpu.memory_space<vmem>>, vector<16xf32>,
        %min3A = arith.minimumf %get3A_120, %add3A_118 : vector<16xf32>
        %swap3A_121 = arith.index_cast %add3A_105 : i32 to index
        %swap3A_122 = tpu.vector_load %arg10[%swap3A_121] {strides = array<i32>} : memref<4096xf32, #tpu.memory_space<vmem>>, vector<16xf32>,
        tpu.vector_store %arg10[%swap3A_121], %min3A {strides = array<i32>} : memref<4096xf32, #tpu.memory_space<vmem>>, vector<16xf32>,
        %gt3A_123 = arith.cmpf ogt, %min3A, %scan3A_95 : vector<16xf32>
        %select_n3A_124 = arith.select %gt3A_123, %min3A, %scan3A_95 : vector<16xi1>, vector<16xf32>
        %add3A_125 = arith.constant 0 : i32
        %add3A_126 = arith.addi %scan3A_103, %add3A_125 : i32
        %add3A_127 = vector.broadcast %add3A_126 : i32 to vector<16xi32>
        %add3A_128 = arith.addi %iota3A, %add3A_127 : vector<16xi32>
        %select_n3A_129 = arith.select %gt3A_123, %add3A_128, %scan3A_96 : vector<16xi1>, vector<16xi32>
        %add3A_130 = arith.constant 16 : i32
        %add3A_131 = arith.addi %scan3A_103, %add3A_130 : i32
        %get3A_132 = arith.index_cast %add3A_131 : i32 to index
        %get3A_133 = tpu.vector_load %arg7[%get3A_132] {strides = array<i32>} : memref<4096xf32, #tpu.memory_space<vmem>>, vector<16xf32>,
        %sub3A_134 = arith.subf %get3A_133, %scan3A_28 : vector<16xf32>
        %get3A_135 = arith.index_cast %add3A_131 : i32 to index
        %get3A_136 = tpu.vector_load %arg8[%get3A_135] {strides = array<i32>} : memref<4096xf32, #tpu.memory_space<vmem>>, vector<16xf32>,
        %sub3A_137 = arith.subf %get3A_136, %scan3A_29 : vector<16xf32>
        %get3A_138 = arith.index_cast %add3A_131 : i32 to index
        %get3A_139 = tpu.vector_load %arg9[%get3A_138] {strides = array<i32>} : memref<4096xf32, #tpu.memory_space<vmem>>, vector<16xf32>,
        %sub3A_140 = arith.subf %get3A_139, %scan3A_30 : vector<16xf32>
        %mul3A_141 = arith.mulf %sub3A_134, %sub3A_134 : vector<16xf32>
        %mul3A_142 = arith.mulf %sub3A_137, %sub3A_137 : vector<16xf32>
        %add3A_143 = arith.addf %mul3A_141, %mul3A_142 : vector<16xf32>
        %mul3A_144 = arith.mulf %sub3A_140, %sub3A_140 : vector<16xf32>
        %add3A_145 = arith.addf %add3A_143, %mul3A_144 : vector<16xf32>
        %get3A_146 = arith.index_cast %add3A_131 : i32 to index
        %get3A_147 = tpu.vector_load %arg10[%get3A_146] {strides = array<i32>} : memref<4096xf32, #tpu.memory_space<vmem>>, vector<16xf32>,
        %min3A_148 = arith.minimumf %get3A_147, %add3A_145 : vector<16xf32>
        %swap3A_149 = arith.index_cast %add3A_131 : i32 to index
        %swap3A_150 = tpu.vector_load %arg10[%swap3A_149] {strides = array<i32>} : memref<4096xf32, #tpu.memory_space<vmem>>, vector<16xf32>,
        tpu.vector_store %arg10[%swap3A_149], %min3A_148 {strides = array<i32>} : memref<4096xf32, #tpu.memory_space<vmem>>, vector<16xf32>,
        %gt3A_151 = arith.cmpf ogt, %min3A_148, %scan3A_97 : vector<16xf32>
        %select_n3A_152 = arith.select %gt3A_151, %min3A_148, %scan3A_97 : vector<16xi1>, vector<16xf32>
        %add3A_153 = arith.constant 16 : i32
        %add3A_154 = arith.addi %scan3A_103, %add3A_153 : i32
        %add3A_155 = vector.broadcast %add3A_154 : i32 to vector<16xi32>
        %add3A_156 = arith.addi %iota3A, %add3A_155 : vector<16xi32>
        %select_n3A_157 = arith.select %gt3A_151, %add3A_156, %scan3A_98 : vector<16xi1>, vector<16xi32>
        %add3A_158 = arith.constant 32 : i32
        %add3A_159 = arith.addi %scan3A_103, %add3A_158 : i32
        %get3A_160 = arith.index_cast %add3A_159 : i32 to index
        %get3A_161 = tpu.vector_load %arg7[%get3A_160] {strides = array<i32>} : memref<4096xf32, #tpu.memory_space<vmem>>, vector<16xf32>,
        %sub3A_162 = arith.subf %get3A_161, %scan3A_28 : vector<16xf32>
        %get3A_163 = arith.index_cast %add3A_159 : i32 to index
        %get3A_164 = tpu.vector_load %arg8[%get3A_163] {strides = array<i32>} : memref<4096xf32, #tpu.memory_space<vmem>>, vector<16xf32>,
        %sub3A_165 = arith.subf %get3A_164, %scan3A_29 : vector<16xf32>
        %get3A_166 = arith.index_cast %add3A_159 : i32 to index
        %get3A_167 = tpu.vector_load %arg9[%get3A_166] {strides = array<i32>} : memref<4096xf32, #tpu.memory_space<vmem>>, vector<16xf32>,
        %sub3A_168 = arith.subf %get3A_167, %scan3A_30 : vector<16xf32>
        %mul3A_169 = arith.mulf %sub3A_162, %sub3A_162 : vector<16xf32>
        %mul3A_170 = arith.mulf %sub3A_165, %sub3A_165 : vector<16xf32>
        %add3A_171 = arith.addf %mul3A_169, %mul3A_170 : vector<16xf32>
        %mul3A_172 = arith.mulf %sub3A_168, %sub3A_168 : vector<16xf32>
        %add3A_173 = arith.addf %add3A_171, %mul3A_172 : vector<16xf32>
        %get3A_174 = arith.index_cast %add3A_159 : i32 to index
        %get3A_175 = tpu.vector_load %arg10[%get3A_174] {strides = array<i32>} : memref<4096xf32, #tpu.memory_space<vmem>>, vector<16xf32>,
        %min3A_176 = arith.minimumf %get3A_175, %add3A_173 : vector<16xf32>
        %swap3A_177 = arith.index_cast %add3A_159 : i32 to index
        %swap3A_178 = tpu.vector_load %arg10[%swap3A_177] {strides = array<i32>} : memref<4096xf32, #tpu.memory_space<vmem>>, vector<16xf32>,
        tpu.vector_store %arg10[%swap3A_177], %min3A_176 {strides = array<i32>} : memref<4096xf32, #tpu.memory_space<vmem>>, vector<16xf32>,
        %gt3A_179 = arith.cmpf ogt, %min3A_176, %scan3A_99 : vector<16xf32>
        %select_n3A_180 = arith.select %gt3A_179, %min3A_176, %scan3A_99 : vector<16xi1>, vector<16xf32>
        %add3A_181 = arith.constant 32 : i32
        %add3A_182 = arith.addi %scan3A_103, %add3A_181 : i32
        %add3A_183 = vector.broadcast %add3A_182 : i32 to vector<16xi32>
        %add3A_184 = arith.addi %iota3A, %add3A_183 : vector<16xi32>
        %select_n3A_185 = arith.select %gt3A_179, %add3A_184, %scan3A_100 : vector<16xi1>, vector<16xi32>
        %add3A_186 = arith.constant 48 : i32
        %add3A_187 = arith.addi %scan3A_103, %add3A_186 : i32
        %get3A_188 = arith.index_cast %add3A_187 : i32 to index
        %get3A_189 = tpu.vector_load %arg7[%get3A_188] {strides = array<i32>} : memref<4096xf32, #tpu.memory_space<vmem>>, vector<16xf32>,
        %sub3A_190 = arith.subf %get3A_189, %scan3A_28 : vector<16xf32>
        %get3A_191 = arith.index_cast %add3A_187 : i32 to index
        %get3A_192 = tpu.vector_load %arg8[%get3A_191] {strides = array<i32>} : memref<4096xf32, #tpu.memory_space<vmem>>, vector<16xf32>,
        %sub3A_193 = arith.subf %get3A_192, %scan3A_29 : vector<16xf32>
        %get3A_194 = arith.index_cast %add3A_187 : i32 to index
        %get3A_195 = tpu.vector_load %arg9[%get3A_194] {strides = array<i32>} : memref<4096xf32, #tpu.memory_space<vmem>>, vector<16xf32>,
        %sub3A_196 = arith.subf %get3A_195, %scan3A_30 : vector<16xf32>
        %mul3A_197 = arith.mulf %sub3A_190, %sub3A_190 : vector<16xf32>
        %mul3A_198 = arith.mulf %sub3A_193, %sub3A_193 : vector<16xf32>
        %add3A_199 = arith.addf %mul3A_197, %mul3A_198 : vector<16xf32>
        %mul3A_200 = arith.mulf %sub3A_196, %sub3A_196 : vector<16xf32>
        %add3A_201 = arith.addf %add3A_199, %mul3A_200 : vector<16xf32>
        %get3A_202 = arith.index_cast %add3A_187 : i32 to index
        %get3A_203 = tpu.vector_load %arg10[%get3A_202] {strides = array<i32>} : memref<4096xf32, #tpu.memory_space<vmem>>, vector<16xf32>,
        %min3A_204 = arith.minimumf %get3A_203, %add3A_201 : vector<16xf32>
        %swap3A_205 = arith.index_cast %add3A_187 : i32 to index
        %swap3A_206 = tpu.vector_load %arg10[%swap3A_205] {strides = array<i32>} : memref<4096xf32, #tpu.memory_space<vmem>>, vector<16xf32>,
        tpu.vector_store %arg10[%swap3A_205], %min3A_204 {strides = array<i32>} : memref<4096xf32, #tpu.memory_space<vmem>>, vector<16xf32>,
        %gt3A_207 = arith.cmpf ogt, %min3A_204, %scan3A_101 : vector<16xf32>
        %select_n3A_208 = arith.select %gt3A_207, %min3A_204, %scan3A_101 : vector<16xi1>, vector<16xf32>
        %add3A_209 = arith.constant 48 : i32
        %add3A_210 = arith.addi %scan3A_103, %add3A_209 : i32
        %add3A_211 = vector.broadcast %add3A_210 : i32 to vector<16xi32>
        %add3A_212 = arith.addi %iota3A, %add3A_211 : vector<16xi32>
        %select_n3A_213 = arith.select %gt3A_207, %add3A_212, %scan3A_102 : vector<16xi1>, vector<16xi32>
        %add3A_214 = arith.constant 64 : i32
        %add3A_215 = arith.addi %scan3A_103, %add3A_214 : i32
        %scan3A_216 = arith.constant 1 : i32
        %scan3A_217 = arith.addi %scan3A_94, %scan3A_216 : i32
        %add3A_218 = arith.constant 0 : i32
        %add3A_219 = arith.addi %add3A_215, %add3A_218 : i32
        %get3A_220 = arith.index_cast %add3A_219 : i32 to index
        %get3A_221 = tpu.vector_load %arg7[%get3A_220] {strides = array<i32>} : memref<4096xf32, #tpu.memory_space<vmem>>, vector<16xf32>,
        %sub3A_222 = arith.subf %get3A_221, %scan3A_28 : vector<16xf32>
        %get3A_223 = arith.index_cast %add3A_219 : i32 to index
        %get3A_224 = tpu.vector_load %arg8[%get3A_223] {strides = array<i32>} : memref<4096xf32, #tpu.memory_space<vmem>>, vector<16xf32>,
        %sub3A_225 = arith.subf %get3A_224, %scan3A_29 : vector<16xf32>
        %get3A_226 = arith.index_cast %add3A_219 : i32 to index
        %get3A_227 = tpu.vector_load %arg9[%get3A_226] {strides = array<i32>} : memref<4096xf32, #tpu.memory_space<vmem>>, vector<16xf32>,
        %sub3A_228 = arith.subf %get3A_227, %scan3A_30 : vector<16xf32>
        %mul3A_229 = arith.mulf %sub3A_222, %sub3A_222 : vector<16xf32>
        %mul3A_230 = arith.mulf %sub3A_225, %sub3A_225 : vector<16xf32>
        %add3A_231 = arith.addf %mul3A_229, %mul3A_230 : vector<16xf32>
        %mul3A_232 = arith.mulf %sub3A_228, %sub3A_228 : vector<16xf32>
        %add3A_233 = arith.addf %add3A_231, %mul3A_232 : vector<16xf32>
        %get3A_234 = arith.index_cast %add3A_219 : i32 to index
        %get3A_235 = tpu.vector_load %arg10[%get3A_234] {strides = array<i32>} : memref<4096xf32, #tpu.memory_space<vmem>>, vector<16xf32>,
        %min3A_236 = arith.minimumf %get3A_235, %add3A_233 : vector<16xf32>
        %swap3A_237 = arith.index_cast %add3A_219 : i32 to index
        %swap3A_238 = tpu.vector_load %arg10[%swap3A_237] {strides = array<i32>} : memref<4096xf32, #tpu.memory_space<vmem>>, vector<16xf32>,
        tpu.vector_store %arg10[%swap3A_237], %min3A_236 {strides = array<i32>} : memref<4096xf32, #tpu.memory_space<vmem>>, vector<16xf32>,
        %gt3A_239 = arith.cmpf ogt, %min3A_236, %select_n3A_124 : vector<16xf32>
        %select_n3A_240 = arith.select %gt3A_239, %min3A_236, %select_n3A_124 : vector<16xi1>, vector<16xf32>
        %add3A_241 = arith.constant 0 : i32
        %add3A_242 = arith.addi %add3A_215, %add3A_241 : i32
        %add3A_243 = vector.broadcast %add3A_242 : i32 to vector<16xi32>
        %add3A_244 = arith.addi %iota3A, %add3A_243 : vector<16xi32>
        %select_n3A_245 = arith.select %gt3A_239, %add3A_244, %select_n3A_129 : vector<16xi1>, vector<16xi32>
        %add3A_246 = arith.constant 16 : i32
        %add3A_247 = arith.addi %add3A_215, %add3A_246 : i32
        %get3A_248 = arith.index_cast %add3A_247 : i32 to index
        %get3A_249 = tpu.vector_load %arg7[%get3A_248] {strides = array<i32>} : memref<4096xf32, #tpu.memory_space<vmem>>, vector<16xf32>,
        %sub3A_250 = arith.subf %get3A_249, %scan3A_28 : vector<16xf32>
        %get3A_251 = arith.index_cast %add3A_247 : i32 to index
        %get3A_252 = tpu.vector_load %arg8[%get3A_251] {strides = array<i32>} : memref<4096xf32, #tpu.memory_space<vmem>>, vector<16xf32>,
        %sub3A_253 = arith.subf %get3A_252, %scan3A_29 : vector<16xf32>
        %get3A_254 = arith.index_cast %add3A_247 : i32 to index
        %get3A_255 = tpu.vector_load %arg9[%get3A_254] {strides = array<i32>} : memref<4096xf32, #tpu.memory_space<vmem>>, vector<16xf32>,
        %sub3A_256 = arith.subf %get3A_255, %scan3A_30 : vector<16xf32>
        %mul3A_257 = arith.mulf %sub3A_250, %sub3A_250 : vector<16xf32>
        %mul3A_258 = arith.mulf %sub3A_253, %sub3A_253 : vector<16xf32>
        %add3A_259 = arith.addf %mul3A_257, %mul3A_258 : vector<16xf32>
        %mul3A_260 = arith.mulf %sub3A_256, %sub3A_256 : vector<16xf32>
        %add3A_261 = arith.addf %add3A_259, %mul3A_260 : vector<16xf32>
        %get3A_262 = arith.index_cast %add3A_247 : i32 to index
        %get3A_263 = tpu.vector_load %arg10[%get3A_262] {strides = array<i32>} : memref<4096xf32, #tpu.memory_space<vmem>>, vector<16xf32>,
        %min3A_264 = arith.minimumf %get3A_263, %add3A_261 : vector<16xf32>
        %swap3A_265 = arith.index_cast %add3A_247 : i32 to index
        %swap3A_266 = tpu.vector_load %arg10[%swap3A_265] {strides = array<i32>} : memref<4096xf32, #tpu.memory_space<vmem>>, vector<16xf32>,
        tpu.vector_store %arg10[%swap3A_265], %min3A_264 {strides = array<i32>} : memref<4096xf32, #tpu.memory_space<vmem>>, vector<16xf32>,
        %gt3A_267 = arith.cmpf ogt, %min3A_264, %select_n3A_152 : vector<16xf32>
        %select_n3A_268 = arith.select %gt3A_267, %min3A_264, %select_n3A_152 : vector<16xi1>, vector<16xf32>
        %add3A_269 = arith.constant 16 : i32
        %add3A_270 = arith.addi %add3A_215, %add3A_269 : i32
        %add3A_271 = vector.broadcast %add3A_270 : i32 to vector<16xi32>
        %add3A_272 = arith.addi %iota3A, %add3A_271 : vector<16xi32>
        %select_n3A_273 = arith.select %gt3A_267, %add3A_272, %select_n3A_157 : vector<16xi1>, vector<16xi32>
        %add3A_274 = arith.constant 32 : i32
        %add3A_275 = arith.addi %add3A_215, %add3A_274 : i32
        %get3A_276 = arith.index_cast %add3A_275 : i32 to index
        %get3A_277 = tpu.vector_load %arg7[%get3A_276] {strides = array<i32>} : memref<4096xf32, #tpu.memory_space<vmem>>, vector<16xf32>,
        %sub3A_278 = arith.subf %get3A_277, %scan3A_28 : vector<16xf32>
        %get3A_279 = arith.index_cast %add3A_275 : i32 to index
        %get3A_280 = tpu.vector_load %arg8[%get3A_279] {strides = array<i32>} : memref<4096xf32, #tpu.memory_space<vmem>>, vector<16xf32>,
        %sub3A_281 = arith.subf %get3A_280, %scan3A_29 : vector<16xf32>
        %get3A_282 = arith.index_cast %add3A_275 : i32 to index
        %get3A_283 = tpu.vector_load %arg9[%get3A_282] {strides = array<i32>} : memref<4096xf32, #tpu.memory_space<vmem>>, vector<16xf32>,
        %sub3A_284 = arith.subf %get3A_283, %scan3A_30 : vector<16xf32>
        %mul3A_285 = arith.mulf %sub3A_278, %sub3A_278 : vector<16xf32>
        %mul3A_286 = arith.mulf %sub3A_281, %sub3A_281 : vector<16xf32>
        %add3A_287 = arith.addf %mul3A_285, %mul3A_286 : vector<16xf32>
        %mul3A_288 = arith.mulf %sub3A_284, %sub3A_284 : vector<16xf32>
        %add3A_289 = arith.addf %add3A_287, %mul3A_288 : vector<16xf32>
        %get3A_290 = arith.index_cast %add3A_275 : i32 to index
        %get3A_291 = tpu.vector_load %arg10[%get3A_290] {strides = array<i32>} : memref<4096xf32, #tpu.memory_space<vmem>>, vector<16xf32>,
        %min3A_292 = arith.minimumf %get3A_291, %add3A_289 : vector<16xf32>
        %swap3A_293 = arith.index_cast %add3A_275 : i32 to index
        %swap3A_294 = tpu.vector_load %arg10[%swap3A_293] {strides = array<i32>} : memref<4096xf32, #tpu.memory_space<vmem>>, vector<16xf32>,
        tpu.vector_store %arg10[%swap3A_293], %min3A_292 {strides = array<i32>} : memref<4096xf32, #tpu.memory_space<vmem>>, vector<16xf32>,
        %gt3A_295 = arith.cmpf ogt, %min3A_292, %select_n3A_180 : vector<16xf32>
        %select_n3A_296 = arith.select %gt3A_295, %min3A_292, %select_n3A_180 : vector<16xi1>, vector<16xf32>
        %add3A_297 = arith.constant 32 : i32
        %add3A_298 = arith.addi %add3A_215, %add3A_297 : i32
        %add3A_299 = vector.broadcast %add3A_298 : i32 to vector<16xi32>
        %add3A_300 = arith.addi %iota3A, %add3A_299 : vector<16xi32>
        %select_n3A_301 = arith.select %gt3A_295, %add3A_300, %select_n3A_185 : vector<16xi1>, vector<16xi32>
        %add3A_302 = arith.constant 48 : i32
        %add3A_303 = arith.addi %add3A_215, %add3A_302 : i32
        %get3A_304 = arith.index_cast %add3A_303 : i32 to index
        %get3A_305 = tpu.vector_load %arg7[%get3A_304] {strides = array<i32>} : memref<4096xf32, #tpu.memory_space<vmem>>, vector<16xf32>,
        %sub3A_306 = arith.subf %get3A_305, %scan3A_28 : vector<16xf32>
        %get3A_307 = arith.index_cast %add3A_303 : i32 to index
        %get3A_308 = tpu.vector_load %arg8[%get3A_307] {strides = array<i32>} : memref<4096xf32, #tpu.memory_space<vmem>>, vector<16xf32>,
        %sub3A_309 = arith.subf %get3A_308, %scan3A_29 : vector<16xf32>
        %get3A_310 = arith.index_cast %add3A_303 : i32 to index
        %get3A_311 = tpu.vector_load %arg9[%get3A_310] {strides = array<i32>} : memref<4096xf32, #tpu.memory_space<vmem>>, vector<16xf32>,
        %sub3A_312 = arith.subf %get3A_311, %scan3A_30 : vector<16xf32>
        %mul3A_313 = arith.mulf %sub3A_306, %sub3A_306 : vector<16xf32>
        %mul3A_314 = arith.mulf %sub3A_309, %sub3A_309 : vector<16xf32>
        %add3A_315 = arith.addf %mul3A_313, %mul3A_314 : vector<16xf32>
        %mul3A_316 = arith.mulf %sub3A_312, %sub3A_312 : vector<16xf32>
        %add3A_317 = arith.addf %add3A_315, %mul3A_316 : vector<16xf32>
        %get3A_318 = arith.index_cast %add3A_303 : i32 to index
        %get3A_319 = tpu.vector_load %arg10[%get3A_318] {strides = array<i32>} : memref<4096xf32, #tpu.memory_space<vmem>>, vector<16xf32>,
        %min3A_320 = arith.minimumf %get3A_319, %add3A_317 : vector<16xf32>
        %swap3A_321 = arith.index_cast %add3A_303 : i32 to index
        %swap3A_322 = tpu.vector_load %arg10[%swap3A_321] {strides = array<i32>} : memref<4096xf32, #tpu.memory_space<vmem>>, vector<16xf32>,
        tpu.vector_store %arg10[%swap3A_321], %min3A_320 {strides = array<i32>} : memref<4096xf32, #tpu.memory_space<vmem>>, vector<16xf32>,
        %gt3A_323 = arith.cmpf ogt, %min3A_320, %select_n3A_208 : vector<16xf32>
        %select_n3A_324 = arith.select %gt3A_323, %min3A_320, %select_n3A_208 : vector<16xi1>, vector<16xf32>
        %add3A_325 = arith.constant 48 : i32
        %add3A_326 = arith.addi %add3A_215, %add3A_325 : i32
        %add3A_327 = vector.broadcast %add3A_326 : i32 to vector<16xi32>
        %add3A_328 = arith.addi %iota3A, %add3A_327 : vector<16xi32>
        %select_n3A_329 = arith.select %gt3A_323, %add3A_328, %select_n3A_213 : vector<16xi1>, vector<16xi32>
        %add3A_330 = arith.constant 64 : i32
        %add3A_331 = arith.addi %add3A_215, %add3A_330 : i32
        scf.yield %select_n3A_240, %select_n3A_245, %select_n3A_268, %select_n3A_273, %select_n3A_296, %select_n3A_301, %select_n3A_324, %select_n3A_329, %add3A_331 : vector<16xf32>, vector<16xi32>, vector<16xf32>, vector<16xi32>, vector<16xf32>, vector<16xi32>, vector<16xf32>, vector<16xi32>, i32
      }
      %scan3A_39 = arith.constant 32 : i32
      %gt3A = arith.cmpf ogt, %scan3A_38#2, %scan3A_38#0 : vector<16xf32>
      %eq3A_40 = arith.cmpf oeq, %scan3A_38#2, %scan3A_38#0 : vector<16xf32>
      %lt3A = arith.cmpi slt, %scan3A_38#3, %scan3A_38#1 : vector<16xi32>
      %and3A_41 = arith.andi %eq3A_40, %lt3A : vector<16xi1>
      %or3A = arith.ori %gt3A, %and3A_41 : vector<16xi1>
      %select_n3A = arith.select %or3A, %scan3A_38#2, %scan3A_38#0 : vector<16xi1>, vector<16xf32>
      %select_n3A_42 = arith.select %or3A, %scan3A_38#3, %scan3A_38#1 : vector<16xi1>, vector<16xi32>
      %gt3A_43 = arith.cmpf ogt, %scan3A_38#4, %select_n3A : vector<16xf32>
      %eq3A_44 = arith.cmpf oeq, %scan3A_38#4, %select_n3A : vector<16xf32>
      %lt3A_45 = arith.cmpi slt, %scan3A_38#5, %select_n3A_42 : vector<16xi32>
      %and3A_46 = arith.andi %eq3A_44, %lt3A_45 : vector<16xi1>
      %or3A_47 = arith.ori %gt3A_43, %and3A_46 : vector<16xi1>
      %select_n3A_48 = arith.select %or3A_47, %scan3A_38#4, %select_n3A : vector<16xi1>, vector<16xf32>
      %select_n3A_49 = arith.select %or3A_47, %scan3A_38#5, %select_n3A_42 : vector<16xi1>, vector<16xi32>
      %gt3A_50 = arith.cmpf ogt, %scan3A_38#6, %select_n3A_48 : vector<16xf32>
      %eq3A_51 = arith.cmpf oeq, %scan3A_38#6, %select_n3A_48 : vector<16xf32>
      %lt3A_52 = arith.cmpi slt, %scan3A_38#7, %select_n3A_49 : vector<16xi32>
      %and3A_53 = arith.andi %eq3A_51, %lt3A_52 : vector<16xi1>
      %or3A_54 = arith.ori %gt3A_50, %and3A_53 : vector<16xi1>
      %select_n3A_55 = arith.select %or3A_54, %scan3A_38#6, %select_n3A_48 : vector<16xi1>, vector<16xf32>
      %select_n3A_56 = arith.select %or3A_54, %scan3A_38#7, %select_n3A_49 : vector<16xi1>, vector<16xi32>
      %swap3A = arith.constant 0 : index
      %swap3A_57 = tpu.vector_load %arg13[%swap3A] {strides = array<i32>} : memref<32xf32, #tpu.memory_space<vmem>>, vector<16xf32>,
      tpu.vector_store %arg13[%swap3A], %select_n3A_55 {strides = array<i32>} : memref<32xf32, #tpu.memory_space<vmem>>, vector<16xf32>,
      %bitcast3A = vector.bitcast %select_n3A_56 : vector<16xi32> to vector<16xf32>
      %swap3A_58 = arith.constant 16 : index
      %swap3A_59 = tpu.vector_load %arg13[%swap3A_58] {strides = array<i32>} : memref<32xf32, #tpu.memory_space<vmem>>, vector<16xf32>,
      tpu.vector_store %arg13[%swap3A_58], %bitcast3A {strides = array<i32>} : memref<32xf32, #tpu.memory_space<vmem>>, vector<16xf32>,
      "tpu.region"() ({
        %run_scoped3A = tpu.sem_alloc : memref<!tpu.dma_semaphore, #tpu.memory_space<semaphore_mem>>
        %dma_start3A = arith.constant 0 : i32
        %dma_start3A_94 = tpu.memref_slice %arg15[%arg1, %dma_start3A] : memref<16x128xf32, #tpu.memory_space<vmem_shared>> -> memref<1x32xf32, #tpu.memory_space<vmem_shared>>
        %dma_start3A_95 = tpu.memref_squeeze %dma_start3A_94 : memref<1x32xf32, #tpu.memory_space<vmem_shared>> -> memref<32xf32, #tpu.memory_space<vmem_shared>>
        %dma_start3A_96 = arith.constant 0 : i32
        %dma_start3A_97 = tpu.memref_slice %arg15[%arg1, %dma_start3A_96] : memref<16x128xf32, #tpu.memory_space<vmem_shared>> -> memref<1x32xf32, #tpu.memory_space<vmem_shared>>
        %dma_start3A_98 = tpu.memref_squeeze %dma_start3A_97 : memref<1x32xf32, #tpu.memory_space<vmem_shared>> -> memref<32xf32, #tpu.memory_space<vmem_shared>>
        tpu.enqueue_dma source(%arg13 : memref<32xf32, #tpu.memory_space<vmem>>) target(%dma_start3A_98 : memref<32xf32, #tpu.memory_space<vmem_shared>>) target_semaphore(%run_scoped3A : memref<!tpu.dma_semaphore, #tpu.memory_space<semaphore_mem>>)
        %dma_wait3A = arith.constant 0 : i32
        %dma_wait3A_99 = tpu.memref_slice %arg15[%arg1, %dma_wait3A] : memref<16x128xf32, #tpu.memory_space<vmem_shared>> -> memref<1x32xf32, #tpu.memory_space<vmem_shared>>
        %dma_wait3A_100 = tpu.memref_squeeze %dma_wait3A_99 : memref<1x32xf32, #tpu.memory_space<vmem_shared>> -> memref<32xf32, #tpu.memory_space<vmem_shared>>
        %dma_wait3A_101 = arith.constant 0 : i32
        %dma_wait3A_102 = tpu.memref_slice %arg15[%arg1, %dma_wait3A_101] : memref<16x128xf32, #tpu.memory_space<vmem_shared>> -> memref<1x32xf32, #tpu.memory_space<vmem_shared>>
        %dma_wait3A_103 = tpu.memref_squeeze %dma_wait3A_102 : memref<1x32xf32, #tpu.memory_space<vmem_shared>> -> memref<32xf32, #tpu.memory_space<vmem_shared>>
        tpu.wait_dma2 semaphore(%run_scoped3A : memref<!tpu.dma_semaphore, #tpu.memory_space<semaphore_mem>>) src(%arg13 : memref<32xf32, #tpu.memory_space<vmem>>) dst(%dma_wait3A_103 : memref<32xf32, #tpu.memory_space<vmem_shared>>)
        tpu.yield
      }) : () -> ()
      %barrier3A = arith.constant 0 : index
      tpu.barrier barrier_id(%barrier3A)
      "tpu.region"() ({
        %run_scoped3A = tpu.sem_alloc : memref<!tpu.dma_semaphore, #tpu.memory_space<semaphore_mem>>
        %dma_start3A = arith.constant 0 : i32
        %dma_start3A_94 = tpu.memref_slice %arg15[%xor3A_3, %dma_start3A] : memref<16x128xf32, #tpu.memory_space<vmem_shared>> -> memref<1x32xf32, #tpu.memory_space<vmem_shared>>
        %dma_start3A_95 = tpu.memref_squeeze %dma_start3A_94 : memref<1x32xf32, #tpu.memory_space<vmem_shared>> -> memref<32xf32, #tpu.memory_space<vmem_shared>>
        %dma_start3A_96 = arith.constant 0 : i32
        %dma_start3A_97 = tpu.memref_slice %arg15[%xor3A_3, %dma_start3A_96] : memref<16x128xf32, #tpu.memory_space<vmem_shared>> -> memref<1x32xf32, #tpu.memory_space<vmem_shared>>
        %dma_start3A_98 = tpu.memref_squeeze %dma_start3A_97 : memref<1x32xf32, #tpu.memory_space<vmem_shared>> -> memref<32xf32, #tpu.memory_space<vmem_shared>>
        tpu.enqueue_dma source(%dma_start3A_98 : memref<32xf32, #tpu.memory_space<vmem_shared>>) target(%arg14 : memref<32xf32, #tpu.memory_space<vmem>>) target_semaphore(%run_scoped3A : memref<!tpu.dma_semaphore, #tpu.memory_space<semaphore_mem>>)
        %dma_wait3A = arith.constant 0 : i32
        %dma_wait3A_99 = tpu.memref_slice %arg15[%xor3A_3, %dma_wait3A] : memref<16x128xf32, #tpu.memory_space<vmem_shared>> -> memref<1x32xf32, #tpu.memory_space<vmem_shared>>
        %dma_wait3A_100 = tpu.memref_squeeze %dma_wait3A_99 : memref<1x32xf32, #tpu.memory_space<vmem_shared>> -> memref<32xf32, #tpu.memory_space<vmem_shared>>
        %dma_wait3A_101 = arith.constant 0 : i32
        %dma_wait3A_102 = tpu.memref_slice %arg15[%xor3A_3, %dma_wait3A_101] : memref<16x128xf32, #tpu.memory_space<vmem_shared>> -> memref<1x32xf32, #tpu.memory_space<vmem_shared>>
        %dma_wait3A_103 = tpu.memref_squeeze %dma_wait3A_102 : memref<1x32xf32, #tpu.memory_space<vmem_shared>> -> memref<32xf32, #tpu.memory_space<vmem_shared>>
        tpu.wait_dma2 semaphore(%run_scoped3A : memref<!tpu.dma_semaphore, #tpu.memory_space<semaphore_mem>>) src(%dma_wait3A_103 : memref<32xf32, #tpu.memory_space<vmem_shared>>) dst(%arg14 : memref<32xf32, #tpu.memory_space<vmem>>)
        tpu.yield
      }) : () -> ()
      %get3A_60 = arith.constant 0 : index
      %get3A_61 = tpu.vector_load %arg14[%get3A_60] {strides = array<i32>} : memref<32xf32, #tpu.memory_space<vmem>>, vector<16xf32>,
      %get3A_62 = arith.constant 16 : index
      %get3A_63 = tpu.vector_load %arg14[%get3A_62] {strides = array<i32>} : memref<32xf32, #tpu.memory_space<vmem>>, vector<16xf32>,
      %bitcast3A_64 = vector.bitcast %get3A_63 : vector<16xf32> to vector<16xi32>
      %gt3A_65 = arith.cmpf ogt, %get3A_61, %select_n3A_55 : vector<16xf32>
      %eq3A_66 = arith.cmpf oeq, %get3A_61, %select_n3A_55 : vector<16xf32>
      %lt3A_67 = arith.cmpi slt, %bitcast3A_64, %select_n3A_56 : vector<16xi32>
      %and3A_68 = arith.andi %eq3A_66, %lt3A_67 : vector<16xi1>
      %or3A_69 = arith.ori %gt3A_65, %and3A_68 : vector<16xi1>
      %select_n3A_70 = arith.select %or3A_69, %get3A_61, %select_n3A_55 : vector<16xi1>, vector<16xf32>
      %select_n3A_71 = arith.select %or3A_69, %bitcast3A_64, %select_n3A_56 : vector<16xi1>, vector<16xi32>
      %barrier3A_72 = arith.constant 0 : index
      tpu.barrier barrier_id(%barrier3A_72)
      %reduce_max3A = arith.constant true
      %reduce_max3A_73 = vector.broadcast %reduce_max3A : i1 to vector<16xi1>
      %reduce_max3A_74 = tpu.scan <max>, %select_n3A_70 masked %reduce_max3A_73 : vector<16xf32>, vector<16xi1> -> vector<16xf32>
      %reduce_max3A_75 = vector.extract %reduce_max3A_74[15] : f32 from vector<16xf32>
      %eq3A_76 = vector.broadcast %reduce_max3A_75 : f32 to vector<16xf32>
      %eq3A_77 = arith.cmpf oeq, %select_n3A_70, %eq3A_76 : vector<16xf32>
      %jit3A = arith.constant 4096 : i32
      %broadcast_in_dim3A_78 = vector.broadcast %jit3A : i32 to vector<16xi32>
      %select_n3A_79 = arith.select %eq3A_77, %select_n3A_71, %broadcast_in_dim3A_78 : vector<16xi1>, vector<16xi32>
      %reduce_min3A = arith.constant true
      %reduce_min3A_80 = vector.broadcast %reduce_min3A : i1 to vector<16xi1>
      %reduce_min3A_81 = arith.constant -2147483648 : i32
      %reduce_min3A_82 = vector.broadcast %reduce_min3A_81 : i32 to vector<16xi32>
      %reduce_min3A_83 = arith.xori %select_n3A_79, %reduce_min3A_82 : vector<16xi32>
      %reduce_min3A_84 = tpu.scan <min>, %reduce_min3A_83 masked %reduce_min3A_80 : vector<16xi32>, vector<16xi1> -> vector<16xi32>
      %reduce_min3A_85 = arith.xori %reduce_min3A_84, %reduce_min3A_82 : vector<16xi32>
      %reduce_min3A_86 = vector.extract %reduce_min3A_85[15] : i32 from vector<16xi32>
      %broadcast_in_dim3A_87 = vector.broadcast %reduce_min3A_86 : i32 to vector<16xi32>
      %broadcast_in_dim3A_88 = vector.broadcast %scan3A_31 : i32 to vector<16xi32>
      tpu.vector_store_idx %arg11[%broadcast_in_dim3A_88], %broadcast_in_dim3A_87 masked %eq3A_7 : memref<1024xi32, #tpu.memory_space<vmem>>[vector<16xi32>], vector<16xi32>, vector<16xi1>
      %gather3A_89 = tpu.vector_load_idx %arg7[%broadcast_in_dim3A_87] : memref<4096xf32, #tpu.memory_space<vmem>>[vector<16xi32>], vector<16xf32>,
      %gather3A_90 = tpu.vector_load_idx %arg8[%broadcast_in_dim3A_87] : memref<4096xf32, #tpu.memory_space<vmem>>[vector<16xi32>], vector<16xf32>,
      %gather3A_91 = tpu.vector_load_idx %arg9[%broadcast_in_dim3A_87] : memref<4096xf32, #tpu.memory_space<vmem>>[vector<16xi32>], vector<16xf32>,
      %add3A_92 = arith.constant 1 : i32
      %add3A_93 = arith.addi %scan3A_31, %add3A_92 : i32
      scf.yield %gather3A_89, %gather3A_90, %gather3A_91, %add3A_93 : vector<16xf32>, vector<16xf32>, vector<16xf32>, i32
    }
    %scan3A_23 = arith.constant 1023 : i32
    %eq3A_24 = arith.constant 0 : i32
    %eq3A_25 = arith.cmpi eq, %and3A_2, %eq3A_24 : i32
    %convert_element_type3A = arith.extui %eq3A_25 : i1 to i32
    %cond3A = arith.constant 0 : i32
    %cond3A_26 = arith.cmpi ne, %convert_element_type3A, %cond3A : i32
    scf.if %cond3A_26 {
      "tpu.region"() ({
        %run_scoped3A = tpu.sem_alloc : memref<!tpu.dma_semaphore, #tpu.memory_space<semaphore_mem>>
        %dma_start3A = arith.constant 0 : i32
        %dma_start3A_27 = tpu.memref_slice %arg6[%add3A, %dma_start3A] : memref<16x1024xi32, #tpu.memory_space<hbm>> -> memref<1x1024xi32, #tpu.memory_space<hbm>>
        %dma_start3A_28 = tpu.memref_squeeze %dma_start3A_27 : memref<1x1024xi32, #tpu.memory_space<hbm>> -> memref<1024xi32, #tpu.memory_space<hbm>>
        %dma_start3A_29 = arith.constant 0 : i32
        %dma_start3A_30 = tpu.memref_slice %arg6[%add3A, %dma_start3A_29] : memref<16x1024xi32, #tpu.memory_space<hbm>> -> memref<1x1024xi32, #tpu.memory_space<hbm>>
        %dma_start3A_31 = tpu.memref_squeeze %dma_start3A_30 : memref<1x1024xi32, #tpu.memory_space<hbm>> -> memref<1024xi32, #tpu.memory_space<hbm>>
        tpu.enqueue_dma source(%arg11 : memref<1024xi32, #tpu.memory_space<vmem>>) target(%dma_start3A_31 : memref<1024xi32, #tpu.memory_space<hbm>>) target_semaphore(%run_scoped3A : memref<!tpu.dma_semaphore, #tpu.memory_space<semaphore_mem>>)
        %dma_wait3A = arith.constant 0 : i32
        %dma_wait3A_32 = tpu.memref_slice %arg6[%add3A, %dma_wait3A] : memref<16x1024xi32, #tpu.memory_space<hbm>> -> memref<1x1024xi32, #tpu.memory_space<hbm>>
        %dma_wait3A_33 = tpu.memref_squeeze %dma_wait3A_32 : memref<1x1024xi32, #tpu.memory_space<hbm>> -> memref<1024xi32, #tpu.memory_space<hbm>>
        %dma_wait3A_34 = arith.constant 0 : i32
        %dma_wait3A_35 = tpu.memref_slice %arg6[%add3A, %dma_wait3A_34] : memref<16x1024xi32, #tpu.memory_space<hbm>> -> memref<1x1024xi32, #tpu.memory_space<hbm>>
        %dma_wait3A_36 = tpu.memref_squeeze %dma_wait3A_35 : memref<1x1024xi32, #tpu.memory_space<hbm>> -> memref<1024xi32, #tpu.memory_space<hbm>>
        tpu.wait_dma2 semaphore(%run_scoped3A : memref<!tpu.dma_semaphore, #tpu.memory_space<semaphore_mem>>) src(%arg11 : memref<1024xi32, #tpu.memory_space<vmem>>) dst(%dma_wait3A_36 : memref<1024xi32, #tpu.memory_space<hbm>>)
        tpu.yield
      }) : () -> ()
    } else {
    }
    return
  }
}

</mosaic_0001>

<sc_bundles>
// kernel: kernel.3.cloned.1.call-start
scs
__scs_entry_jumppad:
0x0: {  	(pc) =	sbr.rel $0x88, $3  }
0x1: {  	(tag) =	ssettag $0x0;
	lr =	simm.s32 $0x1  }
0x2: {  	[smem:$0x3FA0] =	sst lr;
	_ =	strace $0xD0000000  }
0x3: {  	_ = 	snop  }
0x4: {  	_ = 	snop  }
0x5: {  	_ = 	snop  }
0x6: {  	_ = 	snop  }
0x7: {  	_ = 	snop  }
__scs_overlays_trampoline_lowered:
0x8: {  	[smem:$0x3FAF] =	sst s0  }
0x9: {  	[smem:$0x3FB0] =	sst s1  }
0xa: {  	[smem:$0x3FB1] =	sst s2  }
0xb: {  	[smem:$0x3FB2] =	sst s3  }
0xc: {  	[smem:$0x3FB3] =	sst s4  }
0xd: {  	[smem:$0x3FB4] =	sst s5  }
0xe: {  	[smem:$0x3FB5] =	sst s6  }
0xf: {  	[smem:$0x3FB6] =	sst s7  }
0x10: {  	[smem:$0x3FB7] =	sst s8  }
0x11: {  	[smem:$0x3FB8] =	sst s9;
	s0 =	simm.s32 @!p0 $0x0  }
0x12: {  	s1 =	sld [smem:$0x3F9E];
	s0 =	simm.s32 @p0 $0x1  }
0x13: {  	[smem:$0x3FB9] =	sst s0;
	s0 =	simm.s32 @!p1 $0x0  }
0x14: {  	s2 =	sld [smem:$0x3F9D];
	s0 =	simm.s32 @p1 $0x1  }
0x15: {  	[smem:$0x3FBA] =	sst s0;
	s0 =	simm.s32 @!p2 $0x0  }
0x16: {  	s3 =	sld [smem:$0x3FDB];
	s0 =	simm.s32 @p2 $0x1  }
0x17: {  	s4 =	simm.s32 $0x1BF5;
	[smem:$0x3FBC] =	sst s0  }
0x18: {  	s0 =	sld [smem:$0x3F9F];
	_ =	swait.ge [sflag:s4], $0x0  }
0x19: {  	s7 =	sld [smem:$0x3FA0]  }
0x1a: {  	s8 =	sadd.s32 $0xFFFFE003, lr  }
0x1b: {  	s9 =	sadd.s32 $0xFFFFFEF7, lr;
	s5 =	simm.s32 $0xFFFFFFFF;
	p2 =	slt.u32 s8, $0xFFFFF086  }
0x1c: {  	p1 =	slt.u32 s9, $0xF7A;
	s5 =	simm.s32 @!p2 $0x0  }
0x1d: {  	s5 =	simm.s32 @p1 $0x1;
	p0 =	seq.s32 s7, s2  }
0x1e: {  	s7 =	smul.u32 @!p0 $0xF7A, s2;
	p2 =	seq.s32 @!p0 s5, $0x0  }
0x1f: {  	s9 =	smul.u32 $0xF7A, s1;
	s8 =	simm.s32 @!p0 $0x1BF5;
	p2 =	por !p2, p0  }
0x20: {  	[sflag:s8] =	ssyncset.s32 @!p0 $0xFFFFF086;
	s6 =	sadd.s32 @!p0 s3, s7;
	s7 =	simm.s32 @!p0 $0x108  }
0x21: {  	s3 =	sadd.s32 s3, s9;
	s6 =	sadd.s32 @!p0 $0x88, s6;
	s7 =	simm.s32 @p2 $0x1082  }
0x22: {  	[simem:s7], [sflag:s8] =	dma.local @!p0 [hbm:s6], $0xF7A  }
0x23: {  	s9 =	sor.u32 $0xD0000000, s2;
	s6 =	simm.s32 $0x108;
	_ =	swait.ge @!p0 [sflag:s8], $0x0  }
0x24: {  	s3 =	sadd.s32 $0x88, s3;
	s6 =	simm.s32 @!p1 $0x1082;
	[sflag:s4] =	ssyncset.s32 $0xFFFFF086  }
0x25: {  	[simem:s6], [sflag:s4] =	dma.local [hbm:s3], $0xF7A  }
0x26: {  	[smem:$0x3FA0] =	sst s1;
	(tag) =	ssettag s2;
	_ =	strace s9  }
0x27: {  	s1 =	sld [smem:$0x3FB0]  }
0x28: {  	s2 =	sld [smem:$0x3FB1]  }
0x29: {  	s4 =	sld [smem:$0x3FB3]  }
0x2a: {  	p0 =	seq.s32 s5, $0x0;
	s5 =	sld [smem:$0x3FB4]  }
0x2b: {  	s6 =	sld [smem:$0x3FB5]  }
0x2c: {  	s7 =	sld [smem:$0x3FB6]  }
0x2d: {  	s3 =	simm.s32 $0x108;
	s8 =	sld [smem:$0x3FB7]  }
0x2e: {  	s3 =	simm.s32 @!p0 $0x1082;
	s9 =	sld [smem:$0x3FB8]  }
0x2f: {  	lr =	sadd.s32 s0, s3;
	s0 =	sld [smem:$0x3FAF]  }
0x30: {  	s3 =	sld [smem:$0x3FB2]  }
0x31: {  	[smem:$0x3FBB] =	sst s10  }
0x32: {  	s10 =	sld [smem:$0x3FB9];
	_ =	sdelay $0x3  }
0x33: {  	p0 =	seq.s32 s10, $0x1;
	s10 =	sld [smem:$0x3FBB];
	_ =	sdelay $0x3  }
0x34: {  	[smem:$0x3FBB] =	sst s10  }
0x35: {  	s10 =	sld [smem:$0x3FBA];
	_ =	sdelay $0x3  }
0x36: {  	p1 =	seq.s32 s10, $0x1;
	s10 =	sld [smem:$0x3FBB];
	_ =	sdelay $0x3  }
0x37: {  	[smem:$0x3FBB] =	sst s10  }
0x38: {  	s10 =	sld [smem:$0x3FBC]  }
0x39: {  	_ = 	snop;
	(pc) =	sbr.ind lr, $3  }
0x3a: {  	_ = 	snop  }
0x3b: {  	_ = 	snop  }
0x3c: {  	p2 =	seq.s32 s10, $0x1;
	s10 =	sld [smem:$0x3FBB]  }
0x3d: {  	_ =	shalt  }
0x3e: {  	_ =	shalt  }
0x3f: {  	_ =	shalt  }
0x40: {  	_ =	shalt  }
0x41: {  	_ =	shalt  }
0x42: {  	_ =	shalt  }
0x43: {  	_ =	shalt  }
0x44: {  	_ =	shalt  }
0x45: {  	_ =	shalt  }
0x46: {  	_ =	shalt  }
0x47: {  	_ =	shalt  }
0x48: {  	_ =	shalt  }
0x49: {  	_ =	shalt  }
0x4a: {  	_ =	shalt  }
0x4b: {  	_ =	shalt  }
0x4c: {  	_ =	shalt  }
0x4d: {  	_ =	shalt  }
0x4e: {  	_ =	shalt  }
0x4f: {  	_ =	shalt  }
0x50: {  	_ =	shalt  }
0x51: {  	_ =	shalt  }
0x52: {  	_ =	shalt  }
0x53: {  	_ =	shalt  }
0x54: {  	_ =	shalt  }
0x55: {  	_ =	shalt  }
0x56: {  	_ =	shalt  }
0x57: {  	_ =	shalt  }
0x58: {  	_ =	shalt  }
0x59: {  	_ =	shalt  }
0x5a: {  	_ =	shalt  }
0x5b: {  	_ =	shalt  }
0x5c: {  	_ =	shalt  }
0x5d: {  	_ =	shalt  }
0x5e: {  	_ =	shalt  }
0x5f: {  	_ =	shalt  }
0x60: {  	_ =	shalt  }
0x61: {  	_ =	shalt  }
0x62: {  	_ =	shalt  }
0x63: {  	_ =	shalt  }
0x64: {  	_ =	shalt  }
0x65: {  	_ =	shalt  }
0x66: {  	_ =	shalt  }
0x67: {  	_ =	shalt  }
0x68: {  	_ =	shalt  }
0x69: {  	_ =	shalt  }
0x6a: {  	_ =	shalt  }
0x6b: {  	_ =	shalt  }
0x6c: {  	_ =	shalt  }
0x6d: {  	_ =	shalt  }
0x6e: {  	_ =	shalt  }
0x6f: {  	_ =	shalt  }
0x70: {  	_ =	shalt  }
0x71: {  	_ =	shalt  }
0x72: {  	_ =	shalt  }
0x73: {  	_ =	shalt  }
0x74: {  	_ =	shalt  }
0x75: {  	_ =	shalt  }
0x76: {  	_ =	shalt  }
0x77: {  	_ =	shalt  }
0x78: {  	_ =	shalt  }
0x79: {  	_ =	shalt  }
0x7a: {  	_ =	shalt  }
0x7b: {  	_ =	shalt  }
0x7c: {  	_ =	shalt  }
0x7d: {  	_ =	shalt  }
0x7e: {  	_ =	shalt  }
0x7f: {  	_ =	shalt  }
0x80: {  	_ =	shalt  }
0x81: {  	_ =	shalt  }
0x82: {  	_ =	shalt  }
0x83: {  	_ =	shalt  }
0x84: {  	_ =	shalt  }
0x85: {  	_ =	shalt  }
0x86: {  	_ =	shalt  }
0x87: {  	_ =	shalt  }
.Lfunc_end0:
.L_simem_size_0:
called_computation_lowered:
.L_overlay_start_0:
0x88: {  	s2 =	sld [smem:$0x3FD9]  }
0x89: {  	s3 =	sld [smem:$0x3FFE];
	_ =	sdelay $0x1  }
0x8a: {  	s1 =	srdreg.scid  }
0x8b: {  	s0 =	sand.u32 $0x1, s1  }
0x8c: {  	s17 =	sshll.u32 s0, $0xA;
	s2 =	sadd.s32 s3, s2  }
0x8d: {  	s2 =	sadd.s32 s2, s17  }
0x8e: {  	[smem:$0x3FC7] =	sst s2  }
0x8f: {  	_ = 	snop  }
0x90: {  	s2 =	sld [smem:$0x3FD0];
	(tm) =	ssettm $0x1  }
0x91: {  	s18 =	sld [smem:$0x3FFB];
	_ =	sdelay $0x3  }
0x92: {  	_ =	strace s18  }
0x93: {  	s3 =	sld [smem:$0x3FFC];
	_ =	sdelay $0x3  }
0x94: {  	_ =	strace s3  }
0x95: {  	s3 =	sld [smem:$0x3FFD];
	_ =	sdelay $0x3  }
0x96: {  	_ =	strace s3  }
0x97: {  	_ =	strace $0x8FFFFFFF  }
0x98: {  	s19 =	sld [smem:$0x3FDB];
	_ =	sdelay $0x1  }
0x99: {  	s4 =	simm.s32 $_scs_section_size  }
0x9a: {  	s5 =	simm.s32 $_size__tile_overlayer_lowered;
	s6 =	simm.s32 $_tile_overlayer_lowered  }
0x9b: {  	s22 =	simm.s32 $0x1BFF;
	s21 =	sshll.u32 s6, $0x1;
	s3 =	sadd.s32 s4, s19  }
0x9c: {  	s7 =	simm.s32 $0x0;
	s20 =	sshll.u32 s5, $0x1;
	s5 =	sadd.s32 s21, s3  }
0x9d: {  	[timem:s7], [sflag:s22] =	dma.local [hbm:s5], s20  }
0x9e: {  	_ =	swait.ge [sflag:s22], s20  }
0x9f: {  	s4 =	ssub.s32 $0x0, s20;
	[sflag:s22] =	ssyncset.done $0x0  }
0xa0: {  	[sflag:s22] =	ssyncadd.s32 s4;
	_ =	sdelay $0x1  }
0xa1: {  	s23 =	simm.s32 $0x1B8B  }
0xa2: {  	_ =	swait.ge [sflag:s23], $0x1  }
0xa3: {  	[sflag:s23] =	ssyncset.done $0x0  }
0xa4: {  	s25 =	simm.s32 $0x1B8E;
	s24 =	sld [smem:$0x3FFE];
	[sflag:s23] =	ssyncadd.s32 $0xFFFFFFFF  }
0xa5: {  	s26 =	simm.s32 $execute0_lowered;
	[smem:$0x3FD2] =	sst s25  }
0xa6: {  	s5 =	sshll.u32 s26, $0x1;
	_ =	strace $0x80000046;
	[dreg:$0x1] =	wrdreg $0xFFFFFFFF  }
0xa7: {  	s28 =	simm.s32 $_size_execute0_lowered;
	s3 =	sadd.s32 s3, s5;
	[dreg:$0x0] =	wrdreg $0x0  }
0xa8: {  	s5 =	sshll.u32 s28, $0x1;
	[dreg:$0x2] =	wrdreg s3  }
0xa9: {  	[dreg:$0x3] =	wrdreg s5  }
0xaa: {  	[dreg:$0x4] =	wrdreg $0xC0  }
0xab: {  	_ =	task [dreg:s7], $0x5FFFF  }
0xac: {  	[dreg:$0x1] =	wrdreg $0xFFFFFFFF  }
0xad: {  	[dreg:$0x0] =	wrdreg $0x60  }
0xae: {  	[dreg:$0x2] =	wrdreg s24  }
0xaf: {  	[dreg:$0x3] =	wrdreg s2  }
0xb0: {  	[dreg:$0x4] =	wrdreg $0x45800  }
0xb1: {  	[dreg:$0x5] =	wrdreg $0x9  }
0xb2: {  	_ =	task.clear_ibuf [dreg:s7], $0x6FFFF;
	_ =	strace $0x90000046  }
0xb3: {  	s29 =	simm.s32 $0x9;
	_ =	strace $0x80000048  }
0xb4: {  	_ =	swait.ge [sflag:s29], $0x1  }
0xb5: {  	[sflag:s29] =	ssyncadd.s32 $0xFFFFFFFF  }
0xb6: {  	_ =	strace $0x90000048  }
0xb7: {  	_ =	sfence  }
0xb8: {  	s30 =	sld [smem:$0x0];
	_ =	sdelay $0x2  }
0xb9: {  	s31 =	sshll.u32 s1, $0xD;
	s1 =	sshrl.u32 s1, $0x2  }
0xba: {  	s3 =	sand.u32 $0x4000, s31;
	s1 =	sadd.s32 s1, s30  }
0xbb: {  	s0 =	sor.u32 s3, s0;
	s1 =	sshll.u32 s1, $0x11  }
0xbc: {  	s0 =	sor.u32 s1, s0  }
0xbd: {  	s0 =	sadd.s32 $0x8F2B, s0  }
0xbe: {  	[sflag:s0] =	ssyncadd.remote.s32 $0x1  }
0xbf: {  	_ =	sfence.sel $0xFFFF  }
0xc0: {  	[dreg:$0x0] =	wrdreg $0xFFFFFFFF;
	(pc) =	sbr.abs _section_cstart, $3  }
0xc1: {  	[dreg:$0x1] =	wrdreg $0xFFFFFFFF  }
0xc2: {  	_ =	task.clear_ibuf [dreg:s7], $0x2FFFF;
	_ =	strace $0x9FFFFFFF  }
0xc3: {  	(tm) =	ssettm $0x7FFFFFFF  }
tec
execute0_lowered:
.L_overlay_start_1:
0x0: {  	(tag) =	ssettag $0x1  }
0x1: {  	s0 =	rddreg [dreg:$0x0]  }
0x2: {  	s1 =	rddreg [dreg:$0x1]  }
0x3: {  	s4 =	rddreg [dreg:$0x2]  }
0x4: {  	s2 =	srdreg.scid;
	s9 =	stileid.u32;
	s16 =	simm.s32 $0x80  }
0x5: {  	s17 =	simm.s32 $0x400;
	s18 =	simm.s32 $0x1;
	s19 =	simm.s32 $0x1000  }
0x6: {  	s20 =	simm.s32 $0x2000;
	s22 =	simm.s32 $0x4000;
	s23 =	simm.s32 $0x4480  }
0x7: {  	s24 =	simm.s32 $0x4500;
	s5 =	sand.u32 $0x1, s2;
	s8 =	sshll.u32 s9, $0x6  }
0x8: {  	s2 =	simm.s32 $0x0;
	s12 =	sand.u32 $0x1, s9;
	s9 =	sshll.u32 s9, $0x7  }
0x9: {  	s3 =	sand.u32 $0x380, s8;
	s6 =	sshll.u32 s5, $0xF;
	[smem:$0x7FF] =	sst s2  }
0xa: {  	s25 =	ssub.s32 $0x2, s5;
	s5 =	sshll.u32 s5, $0xD;
	p0 =	sne.s32 s12, $0x0  }
0xb: {  	s3 =	sor.u32 s6, s3;
	_ =	strace $0x80000047;
	s26 =	sshrl.u32 s25, $0x1  }
0xc: {  	s5 =	sor.u32 s8, s5;
	s8 =	sadd.s32 s9, s4;
	s9 =	sxor.u32 $0x80, s9  }
0xd: {  	s3 =	sshrl.u32 s3, $0x3;
	s28 =	ssub.s32 s25, s26;
	s5 =	sshrl.u32 s5, $0x3  }
0xe: {  	s9 =	sadd.s32 s9, s4;
	s25 =	simm.s32 $0x0;
	s7 =	sadd.s32 s3, s0  }
0xf: {  	s0 =	sadd.s32 $0x6A00, s0;
	s3 =	sshll.u32 s12, $0xB;
	s10 =	sadd.s32 s1, s5  }
0x10: {  	s11 =	smax.u32 s28, $0x1;
	[dreg:$0x4] =	wrdreg s0;
	s29 =	sadd.s32 $0x4A00, s7  }
0x11: {  	s30 =	sadd.s32 $0x2A00, s7;
	s31 =	sadd.s32 $0xA00, s7;
	[dreg:$0x5] =	wrdreg s29  }
0x12: {  	s5 =	sor.u32 $0x40, s3;
	s13 =	sor.u32 $0x3040, s3;
	[dreg:$0x6] =	wrdreg s30  }
0x13: {  	v0 =	vimm.f32 $+Inf;
	v1 =	vlaneseq.u32;
	s14 =	sor.u32 $0x1040, s3;
	s15 =	sor.u32 $0x2040, s3;
	[dreg:$0x7] =	wrdreg s31  }
.LBB2_1:
0x14: {  	s0 =	rddreg [dreg:$0x5]  }
0x15: {  	[tilespmem:s2], [sflag:$0x1] =	stream.strided.gather [hbm4b:s0+s16], $0x1000, s17, s16, $0x38;
	[tilespmem:$0x4600] =	vst v63  }
0x16: {  	_ =	swait.ge [sflag:s18], $0x1000  }
0x17: {  	[sflag:s18] =	ssyncset.done $0x0  }
0x18: {  	s29 =	rddreg [dreg:$0x6];
	[sflag:s18] =	ssyncadd.s32 $0xFFFFF000  }
0x19: {  	[tilespmem:s19], [sflag:$0x1] =	stream.strided.gather [hbm4b:s29+s16], $0x1000, s17, s16, $0x38;
	[tilespmem:$0x4600] =	vst v63  }
0x1a: {  	_ =	swait.ge [sflag:s18], $0x1000  }
0x1b: {  	[sflag:s18] =	ssyncset.done $0x0  }
0x1c: {  	s30 =	rddreg [dreg:$0x7];
	[sflag:s18] =	ssyncadd.s32 $0xFFFFF000  }
0x1d: {  	[tilespmem:s20], [sflag:$0x1] =	stream.strided.gather [hbm4b:s30+s16], $0x1000, s17, s16, $0x38;
	[tilespmem:$0x4600] =	vst v63  }
0x1e: {  	_ =	swait.ge [sflag:s18], $0x1000  }
0x1f: {  	[sflag:s18] =	ssyncset.done $0x0  }
0x20: {  	s1 =	simm.s32 $0x4400;
	s31 =	rddreg [dreg:$0x4];
	[sflag:s18] =	ssyncadd.s32 $0xFFFFF000  }
0x21: {  	[tilespmem:s1], [sflag:$0x1] =	stream.linear.gather [hbm4b:s31+s2], $0x80, $0x38;
	[tilespmem:$0x4600] =	vst v63  }
0x22: {  	_ =	swait.ge [sflag:s18], $0x80  }
0x23: {  	[sflag:s18] =	ssyncset.done $0x0  }
0x24: {  	[sflag:s18] =	ssyncadd.s32 $0xFFFFFF80  }
0x25: {  	v2 =	vld [tilespmem:$0x4400];
	[tilespmem:s13+$0xFFFFFFC0] =	vst v0  }
0x26: {  	[tilespmem:s13+$0x30] =	vst v0  }
0x27: {  	[tilespmem:s13+$0x20] =	vst v0  }
0x28: {  	[tilespmem:s13+$0x10] =	vst v0  }
0x29: {  	[tilespmem:s13+$0x0] =	vst v0  }
0x2a: {  	[tilespmem:s13+$0xFFFFFFF0] =	vst v0  }
0x2b: {  	s0 =	simm.s32 $0x0;
	s1 =	smov.u32 s13;
	[tilespmem:s13+$0xFFFFFFE0] =	vst v0  }
.LBB2_2:
0x2c: {  	s0 =	sadd.s32 $0x8, s0;
	[tilespmem:s1+$0xFFFFFFD0] =	vst v0;
	s1 =	sadd.s32 $0x80, s1  }
0x2d: {  	[tilespmem:s1+$0xFFFFFFC0] =	vst v0;
	p1 =	slt.u32 s0, $0x78  }
0x2e: {  	[tilespmem:s1+$0x30] =	vst v0  }
.Ltmp0:
0x2f: {  	[tilespmem:s1+$0x20] =	vst v0;
	(pc) =	sbr.rel @p1 .LBB2_2-.Ltmp0, $4  }
0x30: {  	[tilespmem:s1+$0x10] =	vst v0  }
0x31: {  	[tilespmem:s1+$0x0] =	vst v0  }
0x32: {  	[tilespmem:s1+$0xFFFFFFF0] =	vst v0  }
0x33: {  	[tilespmem:s1+$0xFFFFFFE0] =	vst v0  }
0x34: {  	_ =	sdelay $0x2  }
0x35: {  	[tilespmem:s1+$0xFFFFFFD0] =	vst v0  }
0x36: {  	[tilespmem:v2+s22+$0x0] =	vst.idx.msk $0x1, v2  }
0x37: {  	v5 =	vld.idx.msk [tilespmem:v2+s20+$0x0], $0xffff;
	_ =	sdelay $0x1  }
0x38: {  	v3 =	vld.idx.msk [tilespmem:v2+s2+$0x0], $0xffff  }
0x39: {  	s26 =	simm.s32 $0x1;
	v4 =	vld.idx.msk [tilespmem:v2+s19+$0x0], $0xffff  }
.LBB2_4:
0x3a: {  	v6 =	vld [tilespmem:s5+$0xFFFFFFC0]  }
0x3b: {  	v7 =	vld [tilespmem:s14+$0xFFFFFFC0];
	_ =	sdelay $0x1  }
0x3c: {  	v8 =	vld [tilespmem:s15+$0xFFFFFFC0];
	_ =	sdelay $0x2  }
0x3d: {  	v6 =	vsub.f32 v6, v3;
	v7 =	vsub.f32 v7, v4;
	_ =	sdelay $0x1  }
0x3e: {  	v8 =	vsub.f32 v8, v5;
	v6 =	vmul.f32 v6, v6;
	v7 =	vmul.f32 v7, v7  }
0x3f: {  	v9 =	vld [tilespmem:s13+$0xFFFFFFC0]  }
0x40: {  	v6 =	vadd.f32 v7, v6;
	v7 =	vmul.f32 v8, v8;
	_ =	sdelay $0x1  }
0x41: {  	v6 =	vadd.f32 v7, v6;
	_ =	sdelay $0x1  }
0x42: {  	v7 =	vmin.f32 v9, v6  }
0x43: {  	[tilespmem:s13+$0xFFFFFFC0] =	vst v7  }
0x44: {  	v6 =	vld [tilespmem:s5+$0xFFFFFFD0]  }
0x45: {  	v8 =	vld [tilespmem:s14+$0xFFFFFFD0];
	_ =	sdelay $0x1  }
0x46: {  	v9 =	vld [tilespmem:s15+$0xFFFFFFD0];
	_ =	sdelay $0x2  }
0x47: {  	v6 =	vsub.f32 v6, v3;
	v8 =	vsub.f32 v8, v4;
	_ =	sdelay $0x1  }
0x48: {  	v9 =	vsub.f32 v9, v5;
	v6 =	vmul.f32 v6, v6;
	v8 =	vmul.f32 v8, v8  }
0x49: {  	v10 =	vld [tilespmem:s13+$0xFFFFFFD0]  }
0x4a: {  	v6 =	vadd.f32 v8, v6;
	v8 =	vmul.f32 v9, v9;
	_ =	sdelay $0x1  }
0x4b: {  	v6 =	vadd.f32 v8, v6;
	_ =	sdelay $0x1  }
0x4c: {  	v9 =	vmin.f32 v10, v6  }
0x4d: {  	[tilespmem:s13+$0xFFFFFFD0] =	vst v9  }
0x4e: {  	v6 =	vld [tilespmem:s5+$0xFFFFFFE0]  }
0x4f: {  	v8 =	vld [tilespmem:s14+$0xFFFFFFE0];
	_ =	sdelay $0x1  }
0x50: {  	v10 =	vld [tilespmem:s15+$0xFFFFFFE0];
	_ =	sdelay $0x2  }
0x51: {  	v6 =	vsub.f32 v6, v3;
	v8 =	vsub.f32 v8, v4;
	_ =	sdelay $0x1  }
0x52: {  	v10 =	vsub.f32 v10, v5;
	v6 =	vmul.f32 v6, v6;
	v8 =	vmul.f32 v8, v8  }
0x53: {  	v11 =	vld [tilespmem:s13+$0xFFFFFFE0]  }
0x54: {  	v6 =	vadd.f32 v8, v6;
	v8 =	vmul.f32 v10, v10;
	_ =	sdelay $0x1  }
0x55: {  	v6 =	vadd.f32 v8, v6;
	_ =	sdelay $0x1  }
0x56: {  	v10 =	vmin.f32 v11, v6  }
0x57: {  	[tilespmem:s13+$0xFFFFFFE0] =	vst v10  }
0x58: {  	v6 =	vld [tilespmem:s5+$0xFFFFFFF0]  }
0x59: {  	v8 =	vld [tilespmem:s14+$0xFFFFFFF0];
	_ =	sdelay $0x1  }
0x5a: {  	v11 =	vld [tilespmem:s15+$0xFFFFFFF0];
	_ =	sdelay $0x2  }
0x5b: {  	v6 =	vsub.f32 v6, v3;
	v8 =	vsub.f32 v8, v4;
	_ =	sdelay $0x1  }
0x5c: {  	v11 =	vsub.f32 v11, v5;
	v6 =	vmul.f32 v6, v6;
	v8 =	vmul.f32 v8, v8  }
0x5d: {  	v12 =	vld [tilespmem:s13+$0xFFFFFFF0]  }
0x5e: {  	v6 =	vadd.f32 v8, v6;
	v8 =	vmul.f32 v11, v11;
	_ =	sdelay $0x1  }
0x5f: {  	v6 =	vadd.f32 v8, v6;
	_ =	sdelay $0x1  }
0x60: {  	v14 =	vmin.f32 v12, v6  }
0x61: {  	[tilespmem:s13+$0xFFFFFFF0] =	vst v14  }
0x62: {  	v6 =	vld [tilespmem:s14+$0x0]  }
0x63: {  	v8 =	vld [tilespmem:s5+$0x0];
	_ =	sdelay $0x1  }
0x64: {  	v11 =	vld [tilespmem:s15+$0x0];
	_ =	sdelay $0x2  }
0x65: {  	v6 =	vsub.f32 v6, v4;
	v8 =	vsub.f32 v8, v3;
	_ =	sdelay $0x1  }
0x66: {  	v11 =	vsub.f32 v11, v5;
	v8 =	vmul.f32 v8, v8;
	v6 =	vmul.f32 v6, v6  }
0x67: {  	v12 =	vld [tilespmem:s13+$0x0]  }
0x68: {  	v6 =	vadd.f32 v6, v8;
	v8 =	vmul.f32 v11, v11;
	_ =	sdelay $0x1  }
0x69: {  	v6 =	vadd.f32 v8, v6;
	_ =	sdelay $0x1  }
0x6a: {  	v8 =	vmin.f32 v12, v6  }
0x6b: {  	[tilespmem:s13+$0x0] =	vst v8  }
0x6c: {  	v6 =	vld [tilespmem:s5+$0x10]  }
0x6d: {  	v11 =	vld [tilespmem:s14+$0x10];
	_ =	sdelay $0x1  }
0x6e: {  	v12 =	vld [tilespmem:s15+$0x10];
	_ =	sdelay $0x2  }
0x6f: {  	v6 =	vsub.f32 v6, v3;
	v11 =	vsub.f32 v11, v4;
	_ =	sdelay $0x1  }
0x70: {  	v12 =	vsub.f32 v12, v5;
	v6 =	vmul.f32 v6, v6;
	v11 =	vmul.f32 v11, v11  }
0x71: {  	v13 =	vld [tilespmem:s13+$0x10]  }
0x72: {  	v6 =	vadd.f32 v11, v6;
	v11 =	vmul.f32 v12, v12;
	_ =	sdelay $0x1  }
0x73: {  	v6 =	vadd.f32 v11, v6;
	_ =	sdelay $0x1  }
0x74: {  	v11 =	vmin.f32 v13, v6  }
0x75: {  	[tilespmem:s13+$0x10] =	vst v11  }
0x76: {  	v6 =	vld [tilespmem:s5+$0x20]  }
0x77: {  	v12 =	vld [tilespmem:s14+$0x20];
	_ =	sdelay $0x1  }
0x78: {  	v13 =	vld [tilespmem:s15+$0x20];
	_ =	sdelay $0x2  }
0x79: {  	v6 =	vsub.f32 v6, v3;
	v12 =	vsub.f32 v12, v4;
	_ =	sdelay $0x1  }
0x7a: {  	v13 =	vsub.f32 v13, v5;
	v6 =	vmul.f32 v6, v6;
	v12 =	vmul.f32 v12, v12  }
0x7b: {  	v15 =	vld [tilespmem:s13+$0x20]  }
0x7c: {  	s7 =	sadd.s32 $0x50, s3;
	v13 =	vmul.f32 v13, v13;
	v12 =	vadd.f32 v12, v6  }
0x7d: {  	v18 =	vor.u32 s7, v1;
	v6 =	vimm.f32 $-1.000000000e+00  }
0x7e: {  	vm0 =	vgt.f32 v7, v6;
	vm1 =	vgt.f32 v9, v6;
	v12 =	vadd.f32 v13, v12  }
0x7f: {  	vm2 =	vgt.f32 v10, v6;
	v7 =	vsel vm0, v7, v6;
	v9 =	vsel vm1, v9, v6  }
0x80: {  	s0 =	sadd.s32 $0x40, s3;
	vm3 =	vgt.f32 v8, v7;
	v13 =	vmin.f32 v15, v12;
	v12 =	vor.u32 s3, v1  }
0x81: {  	s6 =	sadd.s32 $0x10, s3;
	v15 =	vor.u32 s0, v1;
	v8 =	vsel vm3, v8, v7;
	v12 =	vsel vm0, v12, v2  }
0x82: {  	[tilespmem:s13+$0x20] =	vst v13;
	vm0 =	vgt.f32 v11, v9;
	v7 =	vsel vm3, v15, v12;
	v12 =	vor.u32 s6, v1  }
0x83: {  	s12 =	sadd.s32 $0x20, s3;
	v16 =	vld [tilespmem:s5+$0x30];
	v15 =	vsel vm1, v12, v2;
	v12 =	vsel vm0, v11, v9;
	v9 =	vsel vm2, v10, v6  }
0x84: {  	s21 =	sadd.s32 $0x60, s3;
	v17 =	vld [tilespmem:s14+$0x30];
	v11 =	vor.u32 s12, v1;
	v10 =	vsel vm0, v18, v15;
	vm1 =	vgt.f32 v13, v9  }
0x85: {  	v15 =	vsel vm2, v11, v2;
	v11 =	vsel vm1, v13, v9;
	v9 =	vor.u32 s21, v1  }
0x86: {  	v9 =	vsel vm1, v9, v15;
	v15 =	vld [tilespmem:s15+$0x30]  }
0x87: {  	s31 =	simm.s32 $0x0;
	s30 =	sadd.s32 $0x30, s3;
	s28 =	sadd.s32 $0x70, s3  }
0x88: {  	s1 =	sadd.s32 $0x80, s15;
	s4 =	smov.u32 s3;
	s29 =	smov.u32 s13  }
0x89: {  	s0 =	sadd.s32 $0x80, s14;
	s12 =	smov.u32 s5;
	vm0 =	vgt.f32 v14, v6;
	s21 =	sadd.s32 $0x80, s13;
	v13 =	vmovc v2;
	v16 =	vsub.f32 v16, v3;
	v17 =	vsub.f32 v17, v4  }
.LBB2_5:
0x8a: {  	s31 =	sadd.s32 $0x2, s31;
	s4 =	sadd.s32 $0x80, s4;
	s12 =	sadd.s32 $0x80, s12  }
0x8b: {  	v15 =	vsub.f32 v15, v5;
	v16 =	vmul.f32 v16, v16;
	s6 =	sadd.s32 $0x30, s4;
	s7 =	sadd.s32 $0x70, s4;
	p1 =	slt.u32 s31, $0x1E;
	v17 =	vmul.f32 v17, v17  }
0x8c: {  	v18 =	vld [tilespmem:s29+$0x30]  }
0x8d: {  	v15 =	vmul.f32 v15, v15;
	v16 =	vadd.f32 v17, v16;
	_ =	sdelay $0x1  }
0x8e: {  	v15 =	vadd.f32 v15, v16;
	_ =	sdelay $0x1  }
0x8f: {  	v6 =	vsel vm0, v14, v6;
	v14 =	vor.u32 s30, v1;
	s30 =	smov.u32 s6;
	v15 =	vmin.f32 v18, v15  }
0x90: {  	v13 =	vsel vm0, v14, v13;
	v14 =	vor.u32 s28, v1;
	s28 =	smov.u32 s7;
	[tilespmem:s29+$0x30] =	vst v15;
	vm0 =	vgt.f32 v15, v6;
	s29 =	smov.u32 s21  }
0x91: {  	v16 =	vld [tilespmem:s12+$0xFFFFFFC0];
	v6 =	vsel vm0, v15, v6;
	v13 =	vsel vm0, v14, v13  }
0x92: {  	v14 =	vld [tilespmem:s0+$0xFFFFFFC0];
	_ =	sdelay $0x1  }
0x93: {  	v15 =	vld [tilespmem:s1+$0xFFFFFFC0];
	_ =	sdelay $0x1  }
0x94: {  	v16 =	vsub.f32 v16, v3  }
0x95: {  	v14 =	vsub.f32 v14, v4;
	_ =	sdelay $0x1  }
0x96: {  	v16 =	vmul.f32 v16, v16;
	v15 =	vsub.f32 v15, v5;
	v14 =	vmul.f32 v14, v14  }
0x97: {  	v17 =	vld [tilespmem:s21+$0xFFFFFFC0]  }
0x98: {  	v14 =	vadd.f32 v14, v16;
	v15 =	vmul.f32 v15, v15;
	_ =	sdelay $0x1  }
0x99: {  	v14 =	vadd.f32 v15, v14;
	_ =	sdelay $0x1  }
0x9a: {  	v17 =	vmin.f32 v17, v14  }
0x9b: {  	[tilespmem:s21+$0xFFFFFFC0] =	vst v17;
	vm3 =	vgt.f32 v17, v8  }
0x9c: {  	v14 =	vld [tilespmem:s1+$0xFFFFFFD0]  }
0x9d: {  	v15 =	vld [tilespmem:s12+$0xFFFFFFD0]  }
0x9e: {  	v16 =	vld [tilespmem:s0+$0xFFFFFFD0];
	_ =	sdelay $0x2  }
0x9f: {  	v14 =	vsub.f32 v14, v5  }
0xa0: {  	v15 =	vsub.f32 v15, v3  }
0xa1: {  	v16 =	vsub.f32 v16, v4;
	_ =	sdelay $0x1  }
0xa2: {  	v15 =	vmul.f32 v15, v15;
	v16 =	vmul.f32 v16, v16  }
0xa3: {  	v18 =	vld [tilespmem:s21+$0xFFFFFFD0]  }
0xa4: {  	v14 =	vmul.f32 v14, v14;
	v15 =	vadd.f32 v16, v15;
	_ =	sdelay $0x1  }
0xa5: {  	v14 =	vadd.f32 v14, v15;
	_ =	sdelay $0x1  }
0xa6: {  	v16 =	vmin.f32 v18, v14  }
0xa7: {  	[tilespmem:s21+$0xFFFFFFD0] =	vst v16;
	vm2 =	vgt.f32 v16, v12  }
0xa8: {  	v14 =	vld [tilespmem:s12+$0xFFFFFFE0]  }
0xa9: {  	v15 =	vld [tilespmem:s0+$0xFFFFFFE0];
	_ =	sdelay $0x1  }
0xaa: {  	v18 =	vld [tilespmem:s1+$0xFFFFFFE0];
	_ =	sdelay $0x1  }
0xab: {  	v14 =	vsub.f32 v14, v3  }
0xac: {  	v15 =	vsub.f32 v15, v4;
	_ =	sdelay $0x1  }
0xad: {  	v14 =	vmul.f32 v14, v14;
	v18 =	vsub.f32 v18, v5;
	v15 =	vmul.f32 v15, v15  }
0xae: {  	v19 =	vld [tilespmem:s21+$0xFFFFFFE0]  }
0xaf: {  	v14 =	vadd.f32 v15, v14;
	v15 =	vmul.f32 v18, v18;
	_ =	sdelay $0x1  }
0xb0: {  	v14 =	vadd.f32 v15, v14;
	_ =	sdelay $0x1  }
0xb1: {  	v15 =	vmin.f32 v19, v14  }
0xb2: {  	[tilespmem:s21+$0xFFFFFFE0] =	vst v15;
	vm1 =	vgt.f32 v15, v11  }
0xb3: {  	v14 =	vld [tilespmem:s12+$0xFFFFFFF0]  }
0xb4: {  	v18 =	vld [tilespmem:s0+$0xFFFFFFF0];
	_ =	sdelay $0x1  }
0xb5: {  	v19 =	vld [tilespmem:s1+$0xFFFFFFF0];
	_ =	sdelay $0x1  }
0xb6: {  	v14 =	vsub.f32 v14, v3  }
0xb7: {  	v18 =	vsub.f32 v18, v4  }
0xb8: {  	v14 =	vmul.f32 v14, v14  }
0xb9: {  	v19 =	vsub.f32 v19, v5;
	v18 =	vmul.f32 v18, v18  }
0xba: {  	v20 =	vld [tilespmem:s21+$0xFFFFFFF0]  }
0xbb: {  	v14 =	vadd.f32 v18, v14;
	v18 =	vmul.f32 v19, v19;
	_ =	sdelay $0x1  }
0xbc: {  	v14 =	vadd.f32 v18, v14;
	_ =	sdelay $0x1  }
0xbd: {  	v14 =	vmin.f32 v20, v14  }
0xbe: {  	[tilespmem:s21+$0xFFFFFFF0] =	vst v14;
	vm0 =	vgt.f32 v14, v6  }
0xbf: {  	v18 =	vld [tilespmem:s0+$0x0]  }
0xc0: {  	v19 =	vld [tilespmem:s12+$0x0];
	_ =	sdelay $0x1  }
0xc1: {  	v20 =	vld [tilespmem:s1+$0x0];
	_ =	sdelay $0x1  }
0xc2: {  	v18 =	vsub.f32 v18, v4  }
0xc3: {  	v19 =	vsub.f32 v19, v3;
	_ =	sdelay $0x1  }
0xc4: {  	v18 =	vmul.f32 v18, v18;
	v20 =	vsub.f32 v20, v5;
	v19 =	vmul.f32 v19, v19  }
0xc5: {  	v21 =	vld [tilespmem:s21+$0x0]  }
0xc6: {  	v18 =	vadd.f32 v18, v19;
	v19 =	vmul.f32 v20, v20;
	_ =	sdelay $0x1  }
0xc7: {  	v18 =	vadd.f32 v19, v18;
	_ =	sdelay $0x1  }
0xc8: {  	s6 =	sadd.s32 $0x40, s4;
	v8 =	vsel vm3, v17, v8;
	v17 =	vor.u32 s4, v1;
	v18 =	vmin.f32 v21, v18  }
0xc9: {  	v7 =	vsel vm3, v17, v7;
	v17 =	vor.u32 s6, v1;
	[tilespmem:s21+$0x0] =	vst v18;
	vm3 =	vgt.f32 v18, v8  }
0xca: {  	v8 =	vsel vm3, v18, v8;
	v7 =	vsel vm3, v17, v7;
	v17 =	vld [tilespmem:s12+$0x10]  }
0xcb: {  	v18 =	vld [tilespmem:s0+$0x10]  }
0xcc: {  	v19 =	vld [tilespmem:s1+$0x10];
	_ =	sdelay $0x2  }
0xcd: {  	v17 =	vsub.f32 v17, v3  }
0xce: {  	v18 =	vsub.f32 v18, v4  }
0xcf: {  	v19 =	vsub.f32 v19, v5  }
0xd0: {  	v17 =	vmul.f32 v17, v17;
	v18 =	vmul.f32 v18, v18  }
0xd1: {  	v20 =	vld [tilespmem:s21+$0x10]  }
0xd2: {  	v17 =	vadd.f32 v18, v17;
	v18 =	vmul.f32 v19, v19;
	_ =	sdelay $0x1  }
0xd3: {  	v17 =	vadd.f32 v18, v17  }
0xd4: {  	s6 =	sadd.s32 $0x10, s4  }
0xd5: {  	v12 =	vsel vm2, v16, v12;
	v16 =	vor.u32 s6, v1;
	s6 =	sadd.s32 $0x50, s4;
	v17 =	vmin.f32 v20, v17  }
0xd6: {  	v10 =	vsel vm2, v16, v10;
	v16 =	vor.u32 s6, v1;
	[tilespmem:s21+$0x10] =	vst v17;
	vm2 =	vgt.f32 v17, v12  }
0xd7: {  	v12 =	vsel vm2, v17, v12;
	v10 =	vsel vm2, v16, v10;
	v16 =	vld [tilespmem:s12+$0x20]  }
0xd8: {  	v17 =	vld [tilespmem:s1+$0x20]  }
0xd9: {  	v18 =	vld [tilespmem:s0+$0x20];
	_ =	sdelay $0x2  }
0xda: {  	v16 =	vsub.f32 v16, v3  }
0xdb: {  	v17 =	vsub.f32 v17, v5  }
0xdc: {  	v18 =	vsub.f32 v18, v4;
	v16 =	vmul.f32 v16, v16;
	_ =	sdelay $0x1  }
0xdd: {  	v18 =	vmul.f32 v18, v18  }
0xde: {  	v19 =	vld [tilespmem:s21+$0x20]  }
0xdf: {  	v17 =	vmul.f32 v17, v17;
	v16 =	vadd.f32 v18, v16;
	_ =	sdelay $0x1  }
0xe0: {  	v16 =	vadd.f32 v17, v16  }
0xe1: {  	s6 =	sadd.s32 $0x20, s4  }
0xe2: {  	v11 =	vsel vm1, v15, v11;
	v15 =	vor.u32 s6, v1;
	s6 =	sadd.s32 $0x60, s4;
	v16 =	vmin.f32 v19, v16  }
0xe3: {  	v9 =	vsel vm1, v15, v9;
	v15 =	vor.u32 s6, v1;
	[tilespmem:s21+$0x20] =	vst v16;
	vm1 =	vgt.f32 v16, v11  }
0xe4: {  	v11 =	vsel vm1, v16, v11;
	v9 =	vsel vm1, v15, v9;
	v16 =	vld [tilespmem:s12+$0x30]  }
0xe5: {  	v17 =	vld [tilespmem:s0+$0x30]  }
.Ltmp1:
0xe6: {  	v15 =	vld [tilespmem:s1+$0x30];
	(pc) =	sbr.rel @p1 .LBB2_5-.Ltmp1, $3  }
0xe7: {  	_ =	sdelay $0x1  }
0xe8: {  	v16 =	vsub.f32 v16, v3  }
0xe9: {  	s21 =	sadd.s32 $0x80, s21;
	s0 =	sadd.s32 $0x80, s0;
	s1 =	sadd.s32 $0x80, s1;
	v17 =	vsub.f32 v17, v4  }
0xea: {  	_ =	sdelay $0x3  }
0xeb: {  	v4 =	vmul.f32 v16, v16;
	v3 =	vsub.f32 v15, v5;
	v5 =	vmul.f32 v17, v17  }
0xec: {  	v62 =	vld [tilespmem:s29+$0x30];
	vm1 =	veq.f32 v12, v8;
	vm2 =	vlt.s32 v10, v7;
	vm5 =	vgt.f32 v12, v8  }
0xed: {  	vm1 =	vmand vm1, vm2;
	v4 =	vadd.f32 v5, v4;
	v3 =	vmul.f32 v3, v3  }
0xee: {  	vm1 =	vmor vm5, vm1  }
0xef: {  	v7 =	vsel vm1, v10, v7;
	v5 =	vor.u32 s30, v1;
	v3 =	vadd.f32 v3, v4  }
0xf0: {  	v5 =	vsel vm0, v5, v13;
	v4 =	vsel vm0, v14, v6;
	v6 =	vsel vm1, v12, v8  }
0xf1: {  	vm1 =	vlt.s32 v9, v7;
	vm6 =	veq.f32 v11, v6;
	v3 =	vmin.f32 v62, v3  }
0xf2: {  	vm8 =	vgt.f32 v11, v6;
	vm0 =	vmand vm6, vm1;
	vm7 =	vgt.f32 v3, v4  }
0xf3: {  	v63 =	vor.u32 s28, v1;
	vm0 =	vmor vm8, vm0;
	v4 =	vsel vm7, v3, v4  }
0xf4: {  	v5 =	vsel vm7, v63, v5;
	v6 =	vsel vm0, v11, v6;
	v7 =	vsel vm0, v9, v7  }
0xf5: {  	vm9 =	veq.f32 v4, v6;
	vm10 =	vlt.s32 v5, v7  }
0xf6: {  	vm11 =	vgt.f32 v4, v6;
	vm0 =	vmand vm9, vm10  }
0xf7: {  	vm0 =	vmor vm11, vm0  }
0xf8: {  	[tilespmem:s29+$0x30] =	vst v3;
	v3 =	vsel vm0, v4, v6  }
0xf9: {  	v4 =	vsel vm0, v5, v7;
	[tilespmem:$0x4480] =	vst v3  }
0xfa: {  	[tilespmem:$0x4490] =	vst v4  }
0xfb: {  	[spmem:s8] =	stream.linear.scatter [tilespmem:s23], [sflag:$0x1], $0x20, $0x38;
	[tilespmem:$0x4600] =	vst v63  }
0xfc: {  	_ =	swait.ge [sflag:s18], $0x20  }
0xfd: {  	[sflag:s18] =	ssyncset.done $0x0  }
0xfe: {  	[sflag:s18] =	ssyncadd.s32 $0xFFFFFFE0  }
0xff: {  	[bflag:$0x0] =	sbarrier.arrive $0xFFFF  }
0x100: {  	[tilespmem:s24], [sflag:$0x1] =	stream.linear.gather [spmem:s9], $0x20, $0x38;
	[tilespmem:$0x4600] =	vst v63  }
0x101: {  	_ =	swait.ge [sflag:s18], $0x20  }
0x102: {  	[sflag:s18] =	ssyncset.done $0x0  }
0x103: {  	[sflag:s18] =	ssyncadd.s32 $0xFFFFFFE0  }
0x104: {  	v5 =	vld [tilespmem:$0x4500]  }
0x105: {  	v6 =	vld [tilespmem:$0x4510];
	_ =	sdelay $0x4  }
0x106: {  	vm12 =	veq.f32 v5, v3;
	vm13 =	vlt.s32 v6, v4  }
0x107: {  	vm14 =	vgt.f32 v5, v3;
	vm0 =	vmand vm12, vm13  }
0x108: {  	vm0 =	vmor vm14, vm0  }
0x109: {  	[bflag:$0x0] =	sbarrier.arrive $0xFFFF;
	v3 =	vsel vm0, v5, v3  }
0x10a: {  	(xrf0) =	vmax.scan.msk.f32 $0xffff, v3;
	_ =	sdelay $0x5  }
0x10b: {  	v5, _, _ =	vpop (xrf0)  }
0x10c: {  	v5 =	vbroadcast v5, $0xF  }
0x10d: {  	v4 =	vsel vm0, v6, v4  }
0x10e: {  	vm15 =	veq.f32 v3, v5;
	v3 =	vxor.u32 $0x80000000, v4  }
0x10f: {  	v3 =	vnsel vm15, $0x80001000, v3  }
0x110: {  	(xrf0) =	vmin.scan.msk.u32 $0xffff, v3;
	_ =	sdelay $0x5  }
0x111: {  	v3, _, _ =	vpop (xrf0)  }
0x112: {  	(v2sf) =	vpush v3, $0xF;
	_ =	sdelay $0xe  }
0x113: {  	s0 =	spop (v2sf)  }
0x114: {  	v3 =	vmov s26;
	s0 =	sxor.u32 $0x80000000, s0  }
0x115: {  	v5 =	vmov s0;
	_ =	sdelay $0x3  }
0x116: {  	s26 =	sadd.s32 $0x1, s26;
	[tilespmem:v3+s22+$0x0] =	vst.idx.msk $0x1, v5  }
0x117: {  	p1 =	sne.s32 s26, $0x400;
	v3 =	vld.idx.msk [tilespmem:v5+s2+$0x0], $0xffff  }
.Ltmp2:
0x118: {  	v4 =	vld.idx.msk [tilespmem:v5+s19+$0x0], $0xffff;
	(pc) =	sbr.rel @p1 .LBB2_4-.Ltmp2, $1  }
0x119: {  	v5 =	vld.idx.msk [tilespmem:v5+s20+$0x0], $0xffff;
	_ =	sdelay $0x3  }
0x11a: {  	s0 =	simm.s32 @!p0 $0x80  }
0x11b: {  	s1 =	simm.s32 @!p0 $0x400;
	s4 =	simm.s32 @!p0 $0x4000;
	s25 =	sadd.s32 $0x1, s25  }
0x11c: {  	[hbm4b:s10+s0] =	stream.strided.scatter @!p0 [tilespmem:s4], [sflag:$0x1], $0x400, s1, s0, $0x38;
	[tilespmem:$0x4600] =	vst v63  }
0x11d: {  	p1 =	sne.s32 s25, s11  }
.Ltmp3:
0x11e: {  	_ = 	snop;
	(pc) =	sbr.rel @p1 .LBB2_1-.Ltmp3, $4  }
0x11f: {  	s0 =	simm.s32 @!p0 $0x1  }
0x120: {  	_ =	swait.ge @!p0 [sflag:s0], $0x400  }
0x121: {  	[sflag:s0] =	ssyncset.done @!p0 $0x0  }
0x122: {  	[sflag:s0] =	ssyncadd.s32 @!p0 $0xFFFFFC00  }
0x123: {  	_ =	sfence.sel $0x180000  }
0x124: {  	[bflag:$0x0] =	sbarrier.arrive $0xFFFF  }
0x125: {  	_ =	strace $0x90000047  }
0x126: {  	s0 =	stileid.u32;
	[bflag:$0x2] =	sbarrier.arrive $0xFFFF  }
0x127: {  	p0 =	sne.s32 s0, $0x0;
	s0 =	rddreg [dreg:$0x3]  }
0x128: {  	s0 =	sadd.s32 @!p0 $0x100000, s0  }
0x129: {  	[sflag:s0] =	ssyncadd.tile.s32 @!p0 $0x1;
	_ =	shalt  }
.Lfunc_end2:
_tile_overlayer_lowered:
.L_overlay_start_2:
0x12a: {  	(tag) =	ssettag $0x2  }
0x12b: {  	s0 =	rddreg [dreg:$0x0];
	s2 =	stileid.u32  }
0x12c: {  	s1 =	rddreg [dreg:$0x1];
	p0 =	sne.s32 s2, $0x0  }
0x12d: {  	s3 =	rddreg [dreg:$0x2];
	[bflag:$0x3] =	sbarrier.arrive $0xFFFF;
	s2 =	simm.s32 @!p0 $0x1C01  }
0x12e: {  	[timem:s3], [sflag:s2] =	dma.local @!p0 [hbm:s0], s1  }
0x12f: {  	s0 =	simm.s32 @!p0 $0x1  }
0x130: {  	_ =	swait.ge @!p0 [sflag:s0], s1  }
0x131: {  	s1 =	ssub.s32 @!p0 $0x0, s1;
	[sflag:s0] =	ssyncset.done @!p0 $0x0  }
0x132: {  	[sflag:s0] =	ssyncadd.s32 @!p0 s1  }
0x133: {  	[bflag:$0x3] =	sbarrier.arrive $0xFFFF  }
0x134: {  	_ =	shalt  }

</sc_bundles>
